<compile_context>
chip_gen: v7x
topology: tpu7x:2x2x1
jax: 0.10.2.dev20260603
libtpu: 0.0.44.dev20260713+nightly
codegen_flags: <defaults>
</compile_context>

<pallas_src>
import functools

import jax
import jax.numpy as jnp
from jax import lax
from jax.experimental import pallas as pl
from jax.experimental.pallas import tpu as pltpu
from jax.experimental.pallas import tpu_sc as plsc

H = 512
W = 512
NPTS = 2048
MIN_DEPTH = 0.1
MAX_DEPTH = 2.0
FX = 525.0
FY = 525.0
CX = (W - 1) / 2.0
CY = (H - 1) / 2.0
BIG = 1 << 30

_NC = 2
_NS = 16
_NW = _NC * _NS
_PPW = NPTS // _NW


def _fps_body(depth_ref, idx_ref, sx_ref, sy_ref, sz_ref, px, py, pz, dist):
    depth = depth_ref[...]
    u = lax.broadcasted_iota(jnp.int32, (H, W), 1).astype(jnp.float32)
    v = lax.broadcasted_iota(jnp.int32, (H, W), 0).astype(jnp.float32)
    x = (u - CX) * depth / FX
    y = (v - CY) * depth / FY
    finite = (depth - depth) == 0.0
    valid = (depth > MIN_DEPTH) & (depth < MAX_DEPTH) & (depth > 0.0) & finite
    px[...] = jnp.where(valid, x, 0.0)
    py[...] = jnp.where(valid, y, 0.0)
    pz[...] = jnp.where(valid, depth, 0.0)
    dist[...] = jnp.where(valid, 1e38, -1e38)

    colio = lax.broadcasted_iota(jnp.int32, (H, W), 1)
    rowio = lax.broadcasted_iota(jnp.int32, (H, 1), 0)
    colio1 = lax.broadcasted_iota(jnp.int32, (1, W), 1)

    colcand = jnp.where(valid, colio, BIG)
    rowmin = jnp.min(colcand, axis=1, keepdims=True)
    r0v = jnp.min(jnp.where(rowmin < BIG, rowio, BIG), axis=0, keepdims=True)
    r0v = jnp.where(r0v < BIG, r0v, 0)
    c0v = jnp.min(jnp.where(rowio == r0v, rowmin, BIG), axis=0, keepdims=True)
    c0v = jnp.where(c0v < BIG, c0v, 0)
    r0 = r0v[0, 0]

    def body(i, carry):
        r, rv, cv = carry
        pxr = px[pl.ds(r, 1), :]
        pyr = py[pl.ds(r, 1), :]
        pzr = pz[pl.ds(r, 1), :]
        sel = colio1 == cv
        cxv = jnp.sum(jnp.where(sel, pxr, 0.0), axis=1, keepdims=True)
        cyv = jnp.sum(jnp.where(sel, pyr, 0.0), axis=1, keepdims=True)
        czv = jnp.sum(jnp.where(sel, pzr, 0.0), axis=1, keepdims=True)
        idx_ref[pl.ds(i, 1), :] = rv * W + cv
        sx_ref[pl.ds(i, 1), :] = cxv
        sy_ref[pl.ds(i, 1), :] = cyv
        sz_ref[pl.ds(i, 1), :] = czv
        dx = px[...] - cxv
        dy = py[...] - cyv
        dz = pz[...] - czv
        d = dx * dx + dy * dy + dz * dz
        nd = jnp.minimum(dist[...], d)
        dist[...] = nd
        rowmax = jnp.max(nd, axis=1, keepdims=True)
        m = jnp.max(rowmax, axis=0, keepdims=True)
        r2v = jnp.min(jnp.where(rowmax == m, rowio, BIG), axis=0, keepdims=True)
        r2 = r2v[0, 0]
        drow = dist[pl.ds(r2, 1), :]
        c2v = jnp.min(jnp.where(drow == m, colio1, BIG), axis=1, keepdims=True)
        return (r2, r2v, c2v)

    lax.fori_loop(0, NPTS, body, (r0, r0v, c0v))


def _rgb_gather_body(rgb_hbm, idx_hbm, out_hbm, idx_v, idx3_v, rows_v, sem):
    wid = lax.axis_index("s") * _NC + lax.axis_index("c")
    base = wid * _PPW
    pltpu.sync_copy(idx_hbm.at[pl.ds(base, _PPW)], idx_v)
    for ch in range(3):
        for k in range(_PPW // 16):
            p = idx_v[pl.ds(16 * k, 16)]
            idx3_v[pl.ds(16 * k, 16)] = p * 3 + ch
        pltpu.async_copy(rgb_hbm.at[idx3_v], rows_v, sem).wait()
        pltpu.sync_copy(rows_v, out_hbm.at[ch, pl.ds(base, _PPW)])


@functools.cache
def _rgb_gather():
    return pl.kernel(
        _rgb_gather_body,
        mesh=plsc.VectorSubcoreMesh(core_axis_name="c", subcore_axis_name="s"),
        out_type=jax.ShapeDtypeStruct((3, NPTS), jnp.float32),
        scratch_types=[
            pltpu.VMEM((_PPW,), jnp.int32),
            pltpu.VMEM((_PPW,), jnp.int32),
            pltpu.VMEM((_PPW,), jnp.float32),
            pltpu.SemaphoreType.DMA,
        ],
    )


def _assemble_body(sx_ref, sy_ref, sz_ref, srgb_ref, out_ref):
    s = jnp.concatenate([sx_ref[...], sy_ref[...], sz_ref[...]], axis=1)
    rgb = srgb_ref[...] / 255.0
    mn = jnp.min(s, axis=0, keepdims=True)
    centered = s - mn
    mx = jnp.max(centered, axis=0, keepdims=True)
    mx = jnp.where(mx < 1e-8, 1.0, mx)
    out_ref[...] = jnp.concatenate([s, rgb, centered / mx], axis=1)


def kernel(depth_image, rgb_image, key):
    idx, sx, sy, sz = pl.pallas_call(
        _fps_body,
        out_shape=[
            jax.ShapeDtypeStruct((NPTS, 1), jnp.int32),
            jax.ShapeDtypeStruct((NPTS, 1), jnp.float32),
            jax.ShapeDtypeStruct((NPTS, 1), jnp.float32),
            jax.ShapeDtypeStruct((NPTS, 1), jnp.float32),
        ],
        in_specs=[pl.BlockSpec(memory_space=pltpu.VMEM)],
        out_specs=[pl.BlockSpec(memory_space=pltpu.VMEM)] * 4,
        scratch_shapes=[pltpu.VMEM((H, W), jnp.float32)] * 4,
    )(depth_image)
    srgb = _rgb_gather()(rgb_image.reshape(-1), idx.reshape(-1))
    out = pl.pallas_call(
        _assemble_body,
        out_shape=jax.ShapeDtypeStruct((NPTS, 9), jnp.float32),
    )(sx, sy, sz, srgb.T)
    return out

# --- scband reference (transcript-rebuilt; emitter-appended) ---
"""Pipeline reference for scband-depth-to-point-cloud-37580963840692 (READ-ONLY COPY).

The authoritative reference and input builder live on the scoring server;
editing this copy changes nothing except your own understanding.
"""

import jax, jax.numpy as jnp
import numpy as np

MAX_POINTS = 2048
MIN_DEPTH = 0.1
MAX_DEPTH = 2.0
FX = 525.0
FY = 525.0


def furthest_point_sampling(xyz, npoint):
    # xyz: [B, N, 3]; non-finite points (masked as inf upstream) are never selected.
    B, N, _ = xyz.shape
    valid = jnp.all(jnp.isfinite(xyz), axis=-1)  # [B, N]
    pts = jnp.where(valid[..., None], xyz, 0.0)
    dist0 = jnp.where(valid, 1e38, -1e38).astype(jnp.float32)
    farthest0 = jnp.argmax(valid, axis=-1).astype(jnp.int32)
    indices0 = jnp.zeros((B, npoint), dtype=jnp.int32)

    def body(i, state):
        indices, dist, farthest = state
        indices = indices.at[:, i].set(farthest)
        gidx = jnp.broadcast_to(farthest[:, None, None], (B, 1, 3)).astype(jnp.int32)
        centroid = jnp.take_along_axis(pts, gidx, axis=1)  # [B, 1, 3]
        d = jnp.sum((pts - centroid) ** 2, axis=-1)  # [B, N]
        d = jnp.where(valid, d, -1e38).astype(jnp.float32)
        dist = jnp.minimum(dist, d)
        farthest = jnp.argmax(dist, axis=-1).astype(jnp.int32)
        return (indices, dist, farthest)

    indices, _, _ = jax.lax.fori_loop(0, npoint, body, (indices0, dist0, farthest0))
    return indices


def _forward(depth_image, rgb_image):
    H, W = depth_image.shape
    cx = (W - 1) / 2.0
    cy = (H - 1) / 2.0
    # depth_to_xyz
    u, v = jnp.meshgrid(jnp.arange(W), jnp.arange(H), indexing='xy')
    u = u.flatten().astype(jnp.float32)
    v = v.flatten().astype(jnp.float32)
    depth = depth_image.flatten()
    x = (u - cx) * depth / FX
    y = (v - cy) * depth / FY
    xyz = jnp.stack([x, y, depth], axis=1)  # [H*W, 3]
    # extract_rgb_at_points
    rgb = rgb_image.reshape(-1, 3) / 255.0
    # filter_valid_points
    valid_mask = (depth > MIN_DEPTH) & (depth < MAX_DEPTH) & (depth > 0) & jnp.isfinite(depth)
    vm3 = valid_mask[:, None]
    valid_xyz = jnp.where(vm3, xyz, jnp.inf)
    valid_rgb = jnp.where(vm3, rgb, 0.0)
    # fps_sample (N >= max_points branch); indices are constants w.r.t. grad
    idx = furthest_point_sampling(jax.lax.stop_gradient(valid_xyz)[None, ...], MAX_POINTS)[0]
    sampled_xyz = jnp.take(valid_xyz, idx, axis=0)
    sampled_rgb = jnp.take(valid_rgb, idx, axis=0)
    # add_coordinate_normalization
    xyz_min = jnp.min(sampled_xyz, axis=0, keepdims=True)
    centered = sampled_xyz - xyz_min
    xyz_max = jnp.max(centered, axis=0, keepdims=True)
    xyz_max = jnp.where(xyz_max < 1e-08, 1.0, xyz_max)
    XYZ = centered / xyz_max
    return jnp.concatenate([sampled_xyz, sampled_rgb, XYZ], axis=1)  # [2048, 9]


def setup_inputs(seed: int = 0) -> dict:
    key = jax.random.key(seed)
    k1, k2 = jax.random.split(key)
    depth_image = jax.random.uniform(k1, (512, 512), dtype=jnp.float32)  # ~90% in (0.1, 2.0)
    rgb_image = jax.random.uniform(k2, (512, 512, 3), dtype=jnp.float32) * 255.0
    prng_key = jnp.zeros((2,), dtype=jnp.int32)  # unused: N >= max_points and train=False
    return {"depth_image": depth_image, "rgb_image": rgb_image, "key": prng_key}


def reference(depth_image, rgb_image, key):
    return _forward(depth_image, rgb_image)

if __name__ == "__main__":
    import jax
    _d = setup_inputs()
    print(jax.jit(kernel)(*tuple(_d.values())))

</pallas_src>

<mosaic_0001>
#map = affine_map<(d0, d1) -> (0)>
#map1 = affine_map<(d0, d1) -> (0, 0)>
module attributes {stable_mosaic.version = 14 : i64} {
  func.func @_rgb_gather_body(%arg0: i32, %arg1: i32, %arg2: memref<786432xf32, #tpu.memory_space<hbm>>, %arg3: memref<2048xi32, #tpu.memory_space<hbm>>, %arg4: memref<3x2048xf32, #tpu.memory_space<hbm>>, %arg5: memref<64xi32, #tpu.memory_space<vmem>>, %arg6: memref<64xi32, #tpu.memory_space<vmem>>, %arg7: memref<64xf32, #tpu.memory_space<vmem>>, %arg8: memref<!tpu.dma_semaphore, #tpu.memory_space<semaphore_mem>>) attributes {dimension_semantics = [#tpu.dimension_semantics<core_parallel>, #tpu.dimension_semantics<subcore_parallel>], iteration_bounds = array<i64: 2, 16>, scalar_prefetch = 0 : i64, scratch_operands = 4 : i64, tpu.core_type = #tpu.core_type<sc_vector_subcore>, window_params = [{transform_indices = #map}, {transform_indices = #map}, {transform_indices = #map1}]} {
    %mul3A = arith.constant 2 : i32
    %mul3A_0 = arith.muli %arg1, %mul3A : i32
    %add3A = arith.addi %mul3A_0, %arg0 : i32
    %mul3A_1 = arith.constant 64 : i32
    %mul3A_2 = arith.muli %add3A, %mul3A_1 : i32
    "tpu.region"() ({
      %run_scoped3A_169 = tpu.sem_alloc : memref<!tpu.dma_semaphore, #tpu.memory_space<semaphore_mem>>
      %dma_start3A_170 = tpu.memref_slice %arg3[%mul3A_2] : memref<2048xi32, #tpu.memory_space<hbm>> -> memref<64xi32, #tpu.memory_space<hbm>>
      %dma_start3A_171 = tpu.memref_slice %arg3[%mul3A_2] : memref<2048xi32, #tpu.memory_space<hbm>> -> memref<64xi32, #tpu.memory_space<hbm>>
      tpu.enqueue_dma source(%dma_start3A_171 : memref<64xi32, #tpu.memory_space<hbm>>) target(%arg5 : memref<64xi32, #tpu.memory_space<vmem>>) target_semaphore(%run_scoped3A_169 : memref<!tpu.dma_semaphore, #tpu.memory_space<semaphore_mem>>)
      %dma_wait3A_172 = tpu.memref_slice %arg3[%mul3A_2] : memref<2048xi32, #tpu.memory_space<hbm>> -> memref<64xi32, #tpu.memory_space<hbm>>
      %dma_wait3A_173 = tpu.memref_slice %arg3[%mul3A_2] : memref<2048xi32, #tpu.memory_space<hbm>> -> memref<64xi32, #tpu.memory_space<hbm>>
      tpu.wait_dma2 semaphore(%run_scoped3A_169 : memref<!tpu.dma_semaphore, #tpu.memory_space<semaphore_mem>>) src(%dma_wait3A_173 : memref<64xi32, #tpu.memory_space<hbm>>) dst(%arg5 : memref<64xi32, #tpu.memory_space<vmem>>)
      tpu.yield
    }) : () -> ()
    %get3A = arith.constant 0 : index
    %get3A_3 = tpu.vector_load %arg5[%get3A] {strides = array<i32>} : memref<64xi32, #tpu.memory_space<vmem>>, vector<16xi32>,
    %get3A_4 = vector.shape_cast %get3A_3 : vector<16xi32> to vector<16xi32>
    %mul3A_5 = arith.constant 3 : i32
    %mul3A_6 = vector.broadcast %mul3A_5 : i32 to vector<16xi32>
    %mul3A_7 = arith.muli %get3A_4, %mul3A_6 : vector<16xi32>
    %add3A_8 = arith.constant 0 : i32
    %add3A_9 = vector.broadcast %add3A_8 : i32 to vector<16xi32>
    %add3A_10 = arith.addi %mul3A_7, %add3A_9 : vector<16xi32>
    %swap3A = arith.constant 0 : index
    %swap3A_11 = tpu.vector_load %arg6[%swap3A] {strides = array<i32>} : memref<64xi32, #tpu.memory_space<vmem>>, vector<16xi32>,
    %swap3A_12 = vector.shape_cast %swap3A_11 : vector<16xi32> to vector<16xi32>
    %swap3A_13 = vector.shape_cast %add3A_10 : vector<16xi32> to vector<16xi32>
    tpu.vector_store %arg6[%swap3A], %swap3A_13 {strides = array<i32>} : memref<64xi32, #tpu.memory_space<vmem>>, vector<16xi32>,
    %get3A_14 = arith.constant 16 : index
    %get3A_15 = tpu.vector_load %arg5[%get3A_14] {strides = array<i32>} : memref<64xi32, #tpu.memory_space<vmem>>, vector<16xi32>,
    %get3A_16 = vector.shape_cast %get3A_15 : vector<16xi32> to vector<16xi32>
    %mul3A_17 = arith.constant 3 : i32
    %mul3A_18 = vector.broadcast %mul3A_17 : i32 to vector<16xi32>
    %mul3A_19 = arith.muli %get3A_16, %mul3A_18 : vector<16xi32>
    %add3A_20 = arith.constant 0 : i32
    %add3A_21 = vector.broadcast %add3A_20 : i32 to vector<16xi32>
    %add3A_22 = arith.addi %mul3A_19, %add3A_21 : vector<16xi32>
    %swap3A_23 = arith.constant 16 : index
    %swap3A_24 = tpu.vector_load %arg6[%swap3A_23] {strides = array<i32>} : memref<64xi32, #tpu.memory_space<vmem>>, vector<16xi32>,
    %swap3A_25 = vector.shape_cast %swap3A_24 : vector<16xi32> to vector<16xi32>
    %swap3A_26 = vector.shape_cast %add3A_22 : vector<16xi32> to vector<16xi32>
    tpu.vector_store %arg6[%swap3A_23], %swap3A_26 {strides = array<i32>} : memref<64xi32, #tpu.memory_space<vmem>>, vector<16xi32>,
    %get3A_27 = arith.constant 32 : index
    %get3A_28 = tpu.vector_load %arg5[%get3A_27] {strides = array<i32>} : memref<64xi32, #tpu.memory_space<vmem>>, vector<16xi32>,
    %get3A_29 = vector.shape_cast %get3A_28 : vector<16xi32> to vector<16xi32>
    %mul3A_30 = arith.constant 3 : i32
    %mul3A_31 = vector.broadcast %mul3A_30 : i32 to vector<16xi32>
    %mul3A_32 = arith.muli %get3A_29, %mul3A_31 : vector<16xi32>
    %add3A_33 = arith.constant 0 : i32
    %add3A_34 = vector.broadcast %add3A_33 : i32 to vector<16xi32>
    %add3A_35 = arith.addi %mul3A_32, %add3A_34 : vector<16xi32>
    %swap3A_36 = arith.constant 32 : index
    %swap3A_37 = tpu.vector_load %arg6[%swap3A_36] {strides = array<i32>} : memref<64xi32, #tpu.memory_space<vmem>>, vector<16xi32>,
    %swap3A_38 = vector.shape_cast %swap3A_37 : vector<16xi32> to vector<16xi32>
    %swap3A_39 = vector.shape_cast %add3A_35 : vector<16xi32> to vector<16xi32>
    tpu.vector_store %arg6[%swap3A_36], %swap3A_39 {strides = array<i32>} : memref<64xi32, #tpu.memory_space<vmem>>, vector<16xi32>,
    %get3A_40 = arith.constant 48 : index
    %get3A_41 = tpu.vector_load %arg5[%get3A_40] {strides = array<i32>} : memref<64xi32, #tpu.memory_space<vmem>>, vector<16xi32>,
    %get3A_42 = vector.shape_cast %get3A_41 : vector<16xi32> to vector<16xi32>
    %mul3A_43 = arith.constant 3 : i32
    %mul3A_44 = vector.broadcast %mul3A_43 : i32 to vector<16xi32>
    %mul3A_45 = arith.muli %get3A_42, %mul3A_44 : vector<16xi32>
    %add3A_46 = arith.constant 0 : i32
    %add3A_47 = vector.broadcast %add3A_46 : i32 to vector<16xi32>
    %add3A_48 = arith.addi %mul3A_45, %add3A_47 : vector<16xi32>
    %swap3A_49 = arith.constant 48 : index
    %swap3A_50 = tpu.vector_load %arg6[%swap3A_49] {strides = array<i32>} : memref<64xi32, #tpu.memory_space<vmem>>, vector<16xi32>,
    %swap3A_51 = vector.shape_cast %swap3A_50 : vector<16xi32> to vector<16xi32>
    %swap3A_52 = vector.shape_cast %add3A_48 : vector<16xi32> to vector<16xi32>
    tpu.vector_store %arg6[%swap3A_49], %swap3A_52 {strides = array<i32>} : memref<64xi32, #tpu.memory_space<vmem>>, vector<16xi32>,
    %dma_start3A = arith.constant 0 : i32
    %dma_start3A_53 = tpu.memref_slice %arg2[%dma_start3A] : memref<786432xf32, #tpu.memory_space<hbm>> -> memref<786432xf32, #tpu.memory_space<hbm>>
    tpu.enqueue_indirect_dma source(%dma_start3A_53 : memref<786432xf32, #tpu.memory_space<hbm>>) target(%arg7 : memref<64xf32, #tpu.memory_space<vmem>>) offsets(%arg6 : memref<64xi32, #tpu.memory_space<vmem>>) semaphore(%arg8 : memref<!tpu.dma_semaphore, #tpu.memory_space<semaphore_mem>>)
    %dma_wait3A = arith.constant 0 : i32
    %dma_wait3A_54 = tpu.memref_slice %arg2[%dma_wait3A] : memref<786432xf32, #tpu.memory_space<hbm>> -> memref<786432xf32, #tpu.memory_space<hbm>>
    tpu.wait_indirect_dma semaphore(%arg8 : memref<!tpu.dma_semaphore, #tpu.memory_space<semaphore_mem>>) src(%dma_wait3A_54 : memref<786432xf32, #tpu.memory_space<hbm>>) dst(%arg7 : memref<64xf32, #tpu.memory_space<vmem>>)
    %run_scoped3A = arith.constant 0 : i32
    "tpu.region"() ({
      %run_scoped3A_169 = tpu.sem_alloc : memref<!tpu.dma_semaphore, #tpu.memory_space<semaphore_mem>>
      %dma_start3A_170 = tpu.memref_slice %arg4[%run_scoped3A, %mul3A_2] : memref<3x2048xf32, #tpu.memory_space<hbm>> -> memref<1x64xf32, #tpu.memory_space<hbm>>
      %dma_start3A_171 = tpu.memref_squeeze %dma_start3A_170 : memref<1x64xf32, #tpu.memory_space<hbm>> -> memref<64xf32, #tpu.memory_space<hbm>>
      %dma_start3A_172 = tpu.memref_slice %arg4[%run_scoped3A, %mul3A_2] : memref<3x2048xf32, #tpu.memory_space<hbm>> -> memref<1x64xf32, #tpu.memory_space<hbm>>
      %dma_start3A_173 = tpu.memref_squeeze %dma_start3A_172 : memref<1x64xf32, #tpu.memory_space<hbm>> -> memref<64xf32, #tpu.memory_space<hbm>>
      tpu.enqueue_dma source(%arg7 : memref<64xf32, #tpu.memory_space<vmem>>) target(%dma_start3A_173 : memref<64xf32, #tpu.memory_space<hbm>>) target_semaphore(%run_scoped3A_169 : memref<!tpu.dma_semaphore, #tpu.memory_space<semaphore_mem>>)
      %dma_wait3A_174 = tpu.memref_slice %arg4[%run_scoped3A, %mul3A_2] : memref<3x2048xf32, #tpu.memory_space<hbm>> -> memref<1x64xf32, #tpu.memory_space<hbm>>
      %dma_wait3A_175 = tpu.memref_squeeze %dma_wait3A_174 : memref<1x64xf32, #tpu.memory_space<hbm>> -> memref<64xf32, #tpu.memory_space<hbm>>
      %dma_wait3A_176 = tpu.memref_slice %arg4[%run_scoped3A, %mul3A_2] : memref<3x2048xf32, #tpu.memory_space<hbm>> -> memref<1x64xf32, #tpu.memory_space<hbm>>
      %dma_wait3A_177 = tpu.memref_squeeze %dma_wait3A_176 : memref<1x64xf32, #tpu.memory_space<hbm>> -> memref<64xf32, #tpu.memory_space<hbm>>
      tpu.wait_dma2 semaphore(%run_scoped3A_169 : memref<!tpu.dma_semaphore, #tpu.memory_space<semaphore_mem>>) src(%arg7 : memref<64xf32, #tpu.memory_space<vmem>>) dst(%dma_wait3A_177 : memref<64xf32, #tpu.memory_space<hbm>>)
      tpu.yield
    }) : () -> ()
    %get3A_55 = arith.constant 0 : index
    %get3A_56 = tpu.vector_load %arg5[%get3A_55] {strides = array<i32>} : memref<64xi32, #tpu.memory_space<vmem>>, vector<16xi32>,
    %get3A_57 = vector.shape_cast %get3A_56 : vector<16xi32> to vector<16xi32>
    %mul3A_58 = arith.constant 3 : i32
    %mul3A_59 = vector.broadcast %mul3A_58 : i32 to vector<16xi32>
    %mul3A_60 = arith.muli %get3A_57, %mul3A_59 : vector<16xi32>
    %add3A_61 = arith.constant 1 : i32
    %add3A_62 = vector.broadcast %add3A_61 : i32 to vector<16xi32>
    %add3A_63 = arith.addi %mul3A_60, %add3A_62 : vector<16xi32>
    %swap3A_64 = arith.constant 0 : index
    %swap3A_65 = tpu.vector_load %arg6[%swap3A_64] {strides = array<i32>} : memref<64xi32, #tpu.memory_space<vmem>>, vector<16xi32>,
    %swap3A_66 = vector.shape_cast %swap3A_65 : vector<16xi32> to vector<16xi32>
    %swap3A_67 = vector.shape_cast %add3A_63 : vector<16xi32> to vector<16xi32>
    tpu.vector_store %arg6[%swap3A_64], %swap3A_67 {strides = array<i32>} : memref<64xi32, #tpu.memory_space<vmem>>, vector<16xi32>,
    %get3A_68 = arith.constant 16 : index
    %get3A_69 = tpu.vector_load %arg5[%get3A_68] {strides = array<i32>} : memref<64xi32, #tpu.memory_space<vmem>>, vector<16xi32>,
    %get3A_70 = vector.shape_cast %get3A_69 : vector<16xi32> to vector<16xi32>
    %mul3A_71 = arith.constant 3 : i32
    %mul3A_72 = vector.broadcast %mul3A_71 : i32 to vector<16xi32>
    %mul3A_73 = arith.muli %get3A_70, %mul3A_72 : vector<16xi32>
    %add3A_74 = arith.constant 1 : i32
    %add3A_75 = vector.broadcast %add3A_74 : i32 to vector<16xi32>
    %add3A_76 = arith.addi %mul3A_73, %add3A_75 : vector<16xi32>
    %swap3A_77 = arith.constant 16 : index
    %swap3A_78 = tpu.vector_load %arg6[%swap3A_77] {strides = array<i32>} : memref<64xi32, #tpu.memory_space<vmem>>, vector<16xi32>,
    %swap3A_79 = vector.shape_cast %swap3A_78 : vector<16xi32> to vector<16xi32>
    %swap3A_80 = vector.shape_cast %add3A_76 : vector<16xi32> to vector<16xi32>
    tpu.vector_store %arg6[%swap3A_77], %swap3A_80 {strides = array<i32>} : memref<64xi32, #tpu.memory_space<vmem>>, vector<16xi32>,
    %get3A_81 = arith.constant 32 : index
    %get3A_82 = tpu.vector_load %arg5[%get3A_81] {strides = array<i32>} : memref<64xi32, #tpu.memory_space<vmem>>, vector<16xi32>,
    %get3A_83 = vector.shape_cast %get3A_82 : vector<16xi32> to vector<16xi32>
    %mul3A_84 = arith.constant 3 : i32
    %mul3A_85 = vector.broadcast %mul3A_84 : i32 to vector<16xi32>
    %mul3A_86 = arith.muli %get3A_83, %mul3A_85 : vector<16xi32>
    %add3A_87 = arith.constant 1 : i32
    %add3A_88 = vector.broadcast %add3A_87 : i32 to vector<16xi32>
    %add3A_89 = arith.addi %mul3A_86, %add3A_88 : vector<16xi32>
    %swap3A_90 = arith.constant 32 : index
    %swap3A_91 = tpu.vector_load %arg6[%swap3A_90] {strides = array<i32>} : memref<64xi32, #tpu.memory_space<vmem>>, vector<16xi32>,
    %swap3A_92 = vector.shape_cast %swap3A_91 : vector<16xi32> to vector<16xi32>
    %swap3A_93 = vector.shape_cast %add3A_89 : vector<16xi32> to vector<16xi32>
    tpu.vector_store %arg6[%swap3A_90], %swap3A_93 {strides = array<i32>} : memref<64xi32, #tpu.memory_space<vmem>>, vector<16xi32>,
    %get3A_94 = arith.constant 48 : index
    %get3A_95 = tpu.vector_load %arg5[%get3A_94] {strides = array<i32>} : memref<64xi32, #tpu.memory_space<vmem>>, vector<16xi32>,
    %get3A_96 = vector.shape_cast %get3A_95 : vector<16xi32> to vector<16xi32>
    %mul3A_97 = arith.constant 3 : i32
    %mul3A_98 = vector.broadcast %mul3A_97 : i32 to vector<16xi32>
    %mul3A_99 = arith.muli %get3A_96, %mul3A_98 : vector<16xi32>
    %add3A_100 = arith.constant 1 : i32
    %add3A_101 = vector.broadcast %add3A_100 : i32 to vector<16xi32>
    %add3A_102 = arith.addi %mul3A_99, %add3A_101 : vector<16xi32>
    %swap3A_103 = arith.constant 48 : index
    %swap3A_104 = tpu.vector_load %arg6[%swap3A_103] {strides = array<i32>} : memref<64xi32, #tpu.memory_space<vmem>>, vector<16xi32>,
    %swap3A_105 = vector.shape_cast %swap3A_104 : vector<16xi32> to vector<16xi32>
    %swap3A_106 = vector.shape_cast %add3A_102 : vector<16xi32> to vector<16xi32>
    tpu.vector_store %arg6[%swap3A_103], %swap3A_106 {strides = array<i32>} : memref<64xi32, #tpu.memory_space<vmem>>, vector<16xi32>,
    %dma_start3A_107 = arith.constant 0 : i32
    %dma_start3A_108 = tpu.memref_slice %arg2[%dma_start3A_107] : memref<786432xf32, #tpu.memory_space<hbm>> -> memref<786432xf32, #tpu.memory_space<hbm>>
    tpu.enqueue_indirect_dma source(%dma_start3A_108 : memref<786432xf32, #tpu.memory_space<hbm>>) target(%arg7 : memref<64xf32, #tpu.memory_space<vmem>>) offsets(%arg6 : memref<64xi32, #tpu.memory_space<vmem>>) semaphore(%arg8 : memref<!tpu.dma_semaphore, #tpu.memory_space<semaphore_mem>>)
    %dma_wait3A_109 = arith.constant 0 : i32
    %dma_wait3A_110 = tpu.memref_slice %arg2[%dma_wait3A_109] : memref<786432xf32, #tpu.memory_space<hbm>> -> memref<786432xf32, #tpu.memory_space<hbm>>
    tpu.wait_indirect_dma semaphore(%arg8 : memref<!tpu.dma_semaphore, #tpu.memory_space<semaphore_mem>>) src(%dma_wait3A_110 : memref<786432xf32, #tpu.memory_space<hbm>>) dst(%arg7 : memref<64xf32, #tpu.memory_space<vmem>>)
    %run_scoped3A_111 = arith.constant 1 : i32
    "tpu.region"() ({
      %run_scoped3A_169 = tpu.sem_alloc : memref<!tpu.dma_semaphore, #tpu.memory_space<semaphore_mem>>
      %dma_start3A_170 = tpu.memref_slice %arg4[%run_scoped3A_111, %mul3A_2] : memref<3x2048xf32, #tpu.memory_space<hbm>> -> memref<1x64xf32, #tpu.memory_space<hbm>>
      %dma_start3A_171 = tpu.memref_squeeze %dma_start3A_170 : memref<1x64xf32, #tpu.memory_space<hbm>> -> memref<64xf32, #tpu.memory_space<hbm>>
      %dma_start3A_172 = tpu.memref_slice %arg4[%run_scoped3A_111, %mul3A_2] : memref<3x2048xf32, #tpu.memory_space<hbm>> -> memref<1x64xf32, #tpu.memory_space<hbm>>
      %dma_start3A_173 = tpu.memref_squeeze %dma_start3A_172 : memref<1x64xf32, #tpu.memory_space<hbm>> -> memref<64xf32, #tpu.memory_space<hbm>>
      tpu.enqueue_dma source(%arg7 : memref<64xf32, #tpu.memory_space<vmem>>) target(%dma_start3A_173 : memref<64xf32, #tpu.memory_space<hbm>>) target_semaphore(%run_scoped3A_169 : memref<!tpu.dma_semaphore, #tpu.memory_space<semaphore_mem>>)
      %dma_wait3A_174 = tpu.memref_slice %arg4[%run_scoped3A_111, %mul3A_2] : memref<3x2048xf32, #tpu.memory_space<hbm>> -> memref<1x64xf32, #tpu.memory_space<hbm>>
      %dma_wait3A_175 = tpu.memref_squeeze %dma_wait3A_174 : memref<1x64xf32, #tpu.memory_space<hbm>> -> memref<64xf32, #tpu.memory_space<hbm>>
      %dma_wait3A_176 = tpu.memref_slice %arg4[%run_scoped3A_111, %mul3A_2] : memref<3x2048xf32, #tpu.memory_space<hbm>> -> memref<1x64xf32, #tpu.memory_space<hbm>>
      %dma_wait3A_177 = tpu.memref_squeeze %dma_wait3A_176 : memref<1x64xf32, #tpu.memory_space<hbm>> -> memref<64xf32, #tpu.memory_space<hbm>>
      tpu.wait_dma2 semaphore(%run_scoped3A_169 : memref<!tpu.dma_semaphore, #tpu.memory_space<semaphore_mem>>) src(%arg7 : memref<64xf32, #tpu.memory_space<vmem>>) dst(%dma_wait3A_177 : memref<64xf32, #tpu.memory_space<hbm>>)
      tpu.yield
    }) : () -> ()
    %get3A_112 = arith.constant 0 : index
    %get3A_113 = tpu.vector_load %arg5[%get3A_112] {strides = array<i32>} : memref<64xi32, #tpu.memory_space<vmem>>, vector<16xi32>,
    %get3A_114 = vector.shape_cast %get3A_113 : vector<16xi32> to vector<16xi32>
    %mul3A_115 = arith.constant 3 : i32
    %mul3A_116 = vector.broadcast %mul3A_115 : i32 to vector<16xi32>
    %mul3A_117 = arith.muli %get3A_114, %mul3A_116 : vector<16xi32>
    %add3A_118 = arith.constant 2 : i32
    %add3A_119 = vector.broadcast %add3A_118 : i32 to vector<16xi32>
    %add3A_120 = arith.addi %mul3A_117, %add3A_119 : vector<16xi32>
    %swap3A_121 = arith.constant 0 : index
    %swap3A_122 = tpu.vector_load %arg6[%swap3A_121] {strides = array<i32>} : memref<64xi32, #tpu.memory_space<vmem>>, vector<16xi32>,
    %swap3A_123 = vector.shape_cast %swap3A_122 : vector<16xi32> to vector<16xi32>
    %swap3A_124 = vector.shape_cast %add3A_120 : vector<16xi32> to vector<16xi32>
    tpu.vector_store %arg6[%swap3A_121], %swap3A_124 {strides = array<i32>} : memref<64xi32, #tpu.memory_space<vmem>>, vector<16xi32>,
    %get3A_125 = arith.constant 16 : index
    %get3A_126 = tpu.vector_load %arg5[%get3A_125] {strides = array<i32>} : memref<64xi32, #tpu.memory_space<vmem>>, vector<16xi32>,
    %get3A_127 = vector.shape_cast %get3A_126 : vector<16xi32> to vector<16xi32>
    %mul3A_128 = arith.constant 3 : i32
    %mul3A_129 = vector.broadcast %mul3A_128 : i32 to vector<16xi32>
    %mul3A_130 = arith.muli %get3A_127, %mul3A_129 : vector<16xi32>
    %add3A_131 = arith.constant 2 : i32
    %add3A_132 = vector.broadcast %add3A_131 : i32 to vector<16xi32>
    %add3A_133 = arith.addi %mul3A_130, %add3A_132 : vector<16xi32>
    %swap3A_134 = arith.constant 16 : index
    %swap3A_135 = tpu.vector_load %arg6[%swap3A_134] {strides = array<i32>} : memref<64xi32, #tpu.memory_space<vmem>>, vector<16xi32>,
    %swap3A_136 = vector.shape_cast %swap3A_135 : vector<16xi32> to vector<16xi32>
    %swap3A_137 = vector.shape_cast %add3A_133 : vector<16xi32> to vector<16xi32>
    tpu.vector_store %arg6[%swap3A_134], %swap3A_137 {strides = array<i32>} : memref<64xi32, #tpu.memory_space<vmem>>, vector<16xi32>,
    %get3A_138 = arith.constant 32 : index
    %get3A_139 = tpu.vector_load %arg5[%get3A_138] {strides = array<i32>} : memref<64xi32, #tpu.memory_space<vmem>>, vector<16xi32>,
    %get3A_140 = vector.shape_cast %get3A_139 : vector<16xi32> to vector<16xi32>
    %mul3A_141 = arith.constant 3 : i32
    %mul3A_142 = vector.broadcast %mul3A_141 : i32 to vector<16xi32>
    %mul3A_143 = arith.muli %get3A_140, %mul3A_142 : vector<16xi32>
    %add3A_144 = arith.constant 2 : i32
    %add3A_145 = vector.broadcast %add3A_144 : i32 to vector<16xi32>
    %add3A_146 = arith.addi %mul3A_143, %add3A_145 : vector<16xi32>
    %swap3A_147 = arith.constant 32 : index
    %swap3A_148 = tpu.vector_load %arg6[%swap3A_147] {strides = array<i32>} : memref<64xi32, #tpu.memory_space<vmem>>, vector<16xi32>,
    %swap3A_149 = vector.shape_cast %swap3A_148 : vector<16xi32> to vector<16xi32>
    %swap3A_150 = vector.shape_cast %add3A_146 : vector<16xi32> to vector<16xi32>
    tpu.vector_store %arg6[%swap3A_147], %swap3A_150 {strides = array<i32>} : memref<64xi32, #tpu.memory_space<vmem>>, vector<16xi32>,
    %get3A_151 = arith.constant 48 : index
    %get3A_152 = tpu.vector_load %arg5[%get3A_151] {strides = array<i32>} : memref<64xi32, #tpu.memory_space<vmem>>, vector<16xi32>,
    %get3A_153 = vector.shape_cast %get3A_152 : vector<16xi32> to vector<16xi32>
    %mul3A_154 = arith.constant 3 : i32
    %mul3A_155 = vector.broadcast %mul3A_154 : i32 to vector<16xi32>
    %mul3A_156 = arith.muli %get3A_153, %mul3A_155 : vector<16xi32>
    %add3A_157 = arith.constant 2 : i32
    %add3A_158 = vector.broadcast %add3A_157 : i32 to vector<16xi32>
    %add3A_159 = arith.addi %mul3A_156, %add3A_158 : vector<16xi32>
    %swap3A_160 = arith.constant 48 : index
    %swap3A_161 = tpu.vector_load %arg6[%swap3A_160] {strides = array<i32>} : memref<64xi32, #tpu.memory_space<vmem>>, vector<16xi32>,
    %swap3A_162 = vector.shape_cast %swap3A_161 : vector<16xi32> to vector<16xi32>
    %swap3A_163 = vector.shape_cast %add3A_159 : vector<16xi32> to vector<16xi32>
    tpu.vector_store %arg6[%swap3A_160], %swap3A_163 {strides = array<i32>} : memref<64xi32, #tpu.memory_space<vmem>>, vector<16xi32>,
    %dma_start3A_164 = arith.constant 0 : i32
    %dma_start3A_165 = tpu.memref_slice %arg2[%dma_start3A_164] : memref<786432xf32, #tpu.memory_space<hbm>> -> memref<786432xf32, #tpu.memory_space<hbm>>
    tpu.enqueue_indirect_dma source(%dma_start3A_165 : memref<786432xf32, #tpu.memory_space<hbm>>) target(%arg7 : memref<64xf32, #tpu.memory_space<vmem>>) offsets(%arg6 : memref<64xi32, #tpu.memory_space<vmem>>) semaphore(%arg8 : memref<!tpu.dma_semaphore, #tpu.memory_space<semaphore_mem>>)
    %dma_wait3A_166 = arith.constant 0 : i32
    %dma_wait3A_167 = tpu.memref_slice %arg2[%dma_wait3A_166] : memref<786432xf32, #tpu.memory_space<hbm>> -> memref<786432xf32, #tpu.memory_space<hbm>>
    tpu.wait_indirect_dma semaphore(%arg8 : memref<!tpu.dma_semaphore, #tpu.memory_space<semaphore_mem>>) src(%dma_wait3A_167 : memref<786432xf32, #tpu.memory_space<hbm>>) dst(%arg7 : memref<64xf32, #tpu.memory_space<vmem>>)
    %run_scoped3A_168 = arith.constant 2 : i32
    "tpu.region"() ({
      %run_scoped3A_169 = tpu.sem_alloc : memref<!tpu.dma_semaphore, #tpu.memory_space<semaphore_mem>>
      %dma_start3A_170 = tpu.memref_slice %arg4[%run_scoped3A_168, %mul3A_2] : memref<3x2048xf32, #tpu.memory_space<hbm>> -> memref<1x64xf32, #tpu.memory_space<hbm>>
      %dma_start3A_171 = tpu.memref_squeeze %dma_start3A_170 : memref<1x64xf32, #tpu.memory_space<hbm>> -> memref<64xf32, #tpu.memory_space<hbm>>
      %dma_start3A_172 = tpu.memref_slice %arg4[%run_scoped3A_168, %mul3A_2] : memref<3x2048xf32, #tpu.memory_space<hbm>> -> memref<1x64xf32, #tpu.memory_space<hbm>>
      %dma_start3A_173 = tpu.memref_squeeze %dma_start3A_172 : memref<1x64xf32, #tpu.memory_space<hbm>> -> memref<64xf32, #tpu.memory_space<hbm>>
      tpu.enqueue_dma source(%arg7 : memref<64xf32, #tpu.memory_space<vmem>>) target(%dma_start3A_173 : memref<64xf32, #tpu.memory_space<hbm>>) target_semaphore(%run_scoped3A_169 : memref<!tpu.dma_semaphore, #tpu.memory_space<semaphore_mem>>)
      %dma_wait3A_174 = tpu.memref_slice %arg4[%run_scoped3A_168, %mul3A_2] : memref<3x2048xf32, #tpu.memory_space<hbm>> -> memref<1x64xf32, #tpu.memory_space<hbm>>
      %dma_wait3A_175 = tpu.memref_squeeze %dma_wait3A_174 : memref<1x64xf32, #tpu.memory_space<hbm>> -> memref<64xf32, #tpu.memory_space<hbm>>
      %dma_wait3A_176 = tpu.memref_slice %arg4[%run_scoped3A_168, %mul3A_2] : memref<3x2048xf32, #tpu.memory_space<hbm>> -> memref<1x64xf32, #tpu.memory_space<hbm>>
      %dma_wait3A_177 = tpu.memref_squeeze %dma_wait3A_176 : memref<1x64xf32, #tpu.memory_space<hbm>> -> memref<64xf32, #tpu.memory_space<hbm>>
      tpu.wait_dma2 semaphore(%run_scoped3A_169 : memref<!tpu.dma_semaphore, #tpu.memory_space<semaphore_mem>>) src(%arg7 : memref<64xf32, #tpu.memory_space<vmem>>) dst(%dma_wait3A_177 : memref<64xf32, #tpu.memory_space<hbm>>)
      tpu.yield
    }) : () -> ()
    return
  }
}

module attributes {stable_mosaic.version = 14 : i64} {
  func.func @_fps_body(%arg0: memref<512x512xf32, #tpu.memory_space<vmem>>, %arg1: memref<2048x1xi32, #tpu.memory_space<vmem>>, %arg2: memref<2048x1xf32, #tpu.memory_space<vmem>>, %arg3: memref<2048x1xf32, #tpu.memory_space<vmem>>, %arg4: memref<2048x1xf32, #tpu.memory_space<vmem>>, %arg5: memref<512x512xf32, #tpu.memory_space<vmem>>, %arg6: memref<512x512xf32, #tpu.memory_space<vmem>>, %arg7: memref<512x512xf32, #tpu.memory_space<vmem>>, %arg8: memref<512x512xf32, #tpu.memory_space<vmem>>) attributes {dimension_semantics = [], scalar_prefetch = 0 : i64, scratch_operands = 4 : i64, tpu.core_type = #tpu.core_type<tc>} {
    %get3A = arith.constant 0 : index
    %get3A_0 = arith.constant 0 : index
    %get3A_1 = vector.load %arg0[%get3A, %get3A_0] : memref<512x512xf32, #tpu.memory_space<vmem>>, vector<512x512xf32>
    %iota3A = tpu.iota {dimensions = array<i32: 1>} : vector<512x512xi32>
    %convert_element_type3A = arith.sitofp %iota3A : vector<512x512xi32> to vector<512x512xf32>
    %iota3A_2 = tpu.iota {dimensions = array<i32: 0>} : vector<512x512xi32>
    %convert_element_type3A_3 = arith.sitofp %iota3A_2 : vector<512x512xi32> to vector<512x512xf32>
    %sub3A = arith.constant 2.555000e+02 : f32
    %sub3A_4 = vector.broadcast %sub3A : f32 to vector<512x512xf32>
    %sub3A_5 = arith.subf %convert_element_type3A, %sub3A_4 : vector<512x512xf32>
    %mul3A = arith.mulf %sub3A_5, %get3A_1 : vector<512x512xf32>
    %div3A = arith.constant 5.250000e+02 : f32
    %div3A_6 = vector.broadcast %div3A : f32 to vector<512x512xf32>
    %div3A_7 = arith.divf %mul3A, %div3A_6 : vector<512x512xf32>
    %sub3A_8 = arith.constant 2.555000e+02 : f32
    %sub3A_9 = vector.broadcast %sub3A_8 : f32 to vector<512x512xf32>
    %sub3A_10 = arith.subf %convert_element_type3A_3, %sub3A_9 : vector<512x512xf32>
    %mul3A_11 = arith.mulf %sub3A_10, %get3A_1 : vector<512x512xf32>
    %div3A_12 = arith.constant 5.250000e+02 : f32
    %div3A_13 = vector.broadcast %div3A_12 : f32 to vector<512x512xf32>
    %div3A_14 = arith.divf %mul3A_11, %div3A_13 : vector<512x512xf32>
    %sub3A_15 = arith.subf %get3A_1, %get3A_1 : vector<512x512xf32>
    %eq3A = arith.constant 0.000000e+00 : f32
    %eq3A_16 = vector.broadcast %eq3A : f32 to vector<512x512xf32>
    %eq3A_17 = arith.cmpf oeq, %sub3A_15, %eq3A_16 : vector<512x512xf32>
    %gt3A = arith.constant 1.000000e-01 : f32
    %gt3A_18 = vector.broadcast %gt3A : f32 to vector<512x512xf32>
    %gt3A_19 = arith.cmpf ogt, %get3A_1, %gt3A_18 : vector<512x512xf32>
    %lt3A = arith.constant 2.000000e+00 : f32
    %lt3A_20 = vector.broadcast %lt3A : f32 to vector<512x512xf32>
    %lt3A_21 = arith.cmpf olt, %get3A_1, %lt3A_20 : vector<512x512xf32>
    %and3A = arith.andi %gt3A_19, %lt3A_21 : vector<512x512xi1>
    %gt3A_22 = arith.constant 0.000000e+00 : f32
    %gt3A_23 = vector.broadcast %gt3A_22 : f32 to vector<512x512xf32>
    %gt3A_24 = arith.cmpf ogt, %get3A_1, %gt3A_23 : vector<512x512xf32>
    %and3A_25 = arith.andi %and3A, %gt3A_24 : vector<512x512xi1>
    %and3A_26 = arith.andi %and3A_25, %eq3A_17 : vector<512x512xi1>
    %jit3A = arith.constant 0.000000e+00 : f32
    %broadcast_in_dim3A = vector.broadcast %jit3A : f32 to vector<512x512xf32>
    %select_n3A = arith.select %and3A_26, %div3A_7, %broadcast_in_dim3A : vector<512x512xi1>, vector<512x512xf32>
    %swap3A = arith.constant 0 : index
    %swap3A_27 = arith.constant 0 : index
    %swap3A_28 = vector.load %arg5[%swap3A, %swap3A_27] : memref<512x512xf32, #tpu.memory_space<vmem>>, vector<512x512xf32>
    tpu.vector_store %arg5[%swap3A, %swap3A_27], %select_n3A {strides = array<i32>} : memref<512x512xf32, #tpu.memory_space<vmem>>, vector<512x512xf32>,
    %jit3A_29 = arith.constant 0.000000e+00 : f32
    %broadcast_in_dim3A_30 = vector.broadcast %jit3A_29 : f32 to vector<512x512xf32>
    %select_n3A_31 = arith.select %and3A_26, %div3A_14, %broadcast_in_dim3A_30 : vector<512x512xi1>, vector<512x512xf32>
    %swap3A_32 = arith.constant 0 : index
    %swap3A_33 = arith.constant 0 : index
    %swap3A_34 = vector.load %arg6[%swap3A_32, %swap3A_33] : memref<512x512xf32, #tpu.memory_space<vmem>>, vector<512x512xf32>
    tpu.vector_store %arg6[%swap3A_32, %swap3A_33], %select_n3A_31 {strides = array<i32>} : memref<512x512xf32, #tpu.memory_space<vmem>>, vector<512x512xf32>,
    %jit3A_35 = arith.constant 0.000000e+00 : f32
    %broadcast_in_dim3A_36 = vector.broadcast %jit3A_35 : f32 to vector<512x512xf32>
    %select_n3A_37 = arith.select %and3A_26, %get3A_1, %broadcast_in_dim3A_36 : vector<512x512xi1>, vector<512x512xf32>
    %swap3A_38 = arith.constant 0 : index
    %swap3A_39 = arith.constant 0 : index
    %swap3A_40 = vector.load %arg7[%swap3A_38, %swap3A_39] : memref<512x512xf32, #tpu.memory_space<vmem>>, vector<512x512xf32>
    tpu.vector_store %arg7[%swap3A_38, %swap3A_39], %select_n3A_37 {strides = array<i32>} : memref<512x512xf32, #tpu.memory_space<vmem>>, vector<512x512xf32>,
    %jit3A_41 = arith.constant 9.99999968E+37 : f32
    %jit3A_42 = arith.constant -9.99999968E+37 : f32
    %broadcast_in_dim3A_43 = vector.broadcast %jit3A_41 : f32 to vector<512x512xf32>
    %broadcast_in_dim3A_44 = vector.broadcast %jit3A_42 : f32 to vector<512x512xf32>
    %select_n3A_45 = arith.select %and3A_26, %broadcast_in_dim3A_43, %broadcast_in_dim3A_44 : vector<512x512xi1>, vector<512x512xf32>
    %swap3A_46 = arith.constant 0 : index
    %swap3A_47 = arith.constant 0 : index
    %swap3A_48 = vector.load %arg8[%swap3A_46, %swap3A_47] : memref<512x512xf32, #tpu.memory_space<vmem>>, vector<512x512xf32>
    tpu.vector_store %arg8[%swap3A_46, %swap3A_47], %select_n3A_45 {strides = array<i32>} : memref<512x512xf32, #tpu.memory_space<vmem>>, vector<512x512xf32>,
    %iota3A_49 = tpu.iota {dimensions = array<i32: 1>} : vector<512x512xi32>
    %iota3A_50 = tpu.iota {dimensions = array<i32: 0>} : vector<512x1xi32>
    %iota3A_51 = tpu.iota {dimensions = array<i32: 1>} : vector<1x512xi32>
    %jit3A_52 = arith.constant 1073741824 : i32
    %broadcast_in_dim3A_53 = vector.broadcast %jit3A_52 : i32 to vector<512x512xi32>
    %select_n3A_54 = arith.select %and3A_26, %iota3A_49, %broadcast_in_dim3A_53 : vector<512x512xi1>, vector<512x512xi32>
    %reduce_min3A = arith.constant dense<2147483647> : vector<512xi32>
    %reduce_min3A_55 = vector.multi_reduction <minsi>, %select_n3A_54, %reduce_min3A [1] : vector<512x512xi32> to vector<512xi32>
    %broadcast_in_dim3A_56 = vector.shape_cast %reduce_min3A_55 : vector<512xi32> to vector<512x1xi32>
    %lt3A_57 = arith.constant 1073741824 : i32
    %lt3A_58 = vector.broadcast %lt3A_57 : i32 to vector<512x1xi32>
    %lt3A_59 = arith.cmpi slt, %broadcast_in_dim3A_56, %lt3A_58 : vector<512x1xi32>
    %jit3A_60 = arith.constant 1073741824 : i32
    %broadcast_in_dim3A_61 = vector.broadcast %jit3A_60 : i32 to vector<512x1xi32>
    %select_n3A_62 = arith.select %lt3A_59, %iota3A_50, %broadcast_in_dim3A_61 : vector<512x1xi1>, vector<512x1xi32>
    %reduce_min3A_63 = arith.constant dense<2147483647> : vector<1xi32>
    %reduce_min3A_64 = vector.multi_reduction <minsi>, %select_n3A_62, %reduce_min3A_63 [0] : vector<512x1xi32> to vector<1xi32>
    %broadcast_in_dim3A_65 = vector.shape_cast %reduce_min3A_64 : vector<1xi32> to vector<1x1xi32>
    %lt3A_66 = arith.constant 1073741824 : i32
    %lt3A_67 = vector.broadcast %lt3A_66 : i32 to vector<1x1xi32>
    %lt3A_68 = arith.cmpi slt, %broadcast_in_dim3A_65, %lt3A_67 : vector<1x1xi32>
    %jit3A_69 = arith.constant 0 : i32
    %broadcast_in_dim3A_70 = vector.broadcast %jit3A_69 : i32 to vector<1x1xi32>
    %select_n3A_71 = arith.select %lt3A_68, %broadcast_in_dim3A_65, %broadcast_in_dim3A_70 : vector<1x1xi1>, vector<1x1xi32>
    %eq3A_72 = vector.broadcast %select_n3A_71 : vector<1x1xi32> to vector<512x1xi32>
    %eq3A_73 = arith.cmpi eq, %iota3A_50, %eq3A_72 : vector<512x1xi32>
    %jit3A_74 = arith.constant 1073741824 : i32
    %broadcast_in_dim3A_75 = vector.broadcast %jit3A_74 : i32 to vector<512x1xi32>
    %select_n3A_76 = arith.select %eq3A_73, %broadcast_in_dim3A_56, %broadcast_in_dim3A_75 : vector<512x1xi1>, vector<512x1xi32>
    %reduce_min3A_77 = arith.constant dense<2147483647> : vector<1xi32>
    %reduce_min3A_78 = vector.multi_reduction <minsi>, %select_n3A_76, %reduce_min3A_77 [0] : vector<512x1xi32> to vector<1xi32>
    %broadcast_in_dim3A_79 = vector.shape_cast %reduce_min3A_78 : vector<1xi32> to vector<1x1xi32>
    %lt3A_80 = arith.constant 1073741824 : i32
    %lt3A_81 = vector.broadcast %lt3A_80 : i32 to vector<1x1xi32>
    %lt3A_82 = arith.cmpi slt, %broadcast_in_dim3A_79, %lt3A_81 : vector<1x1xi32>
    %jit3A_83 = arith.constant 0 : i32
    %broadcast_in_dim3A_84 = vector.broadcast %jit3A_83 : i32 to vector<1x1xi32>
    %select_n3A_85 = arith.select %lt3A_82, %broadcast_in_dim3A_79, %broadcast_in_dim3A_84 : vector<1x1xi1>, vector<1x1xi32>
    %squeeze3A = vector.extract %select_n3A_71[0, 0] : i32 from vector<1x1xi32>
    %scan3A = arith.constant 0 : i32
    %scan3A_86 = arith.constant 2048 : i32
    %scan3A_87 = arith.addi %scan3A, %scan3A_86 : i32
    %scan3A_88 = arith.constant 1 : i32
    %scan3A_89:3 = scf.for %scan3A_91 = %scan3A to %scan3A_87 step %scan3A_88 iter_args(%scan3A_92 = %squeeze3A, %scan3A_93 = %select_n3A_71, %scan3A_94 = %select_n3A_85) -> (i32, vector<1x1xi32>, vector<1x1xi32>)  : i32 {
      %get3A_95 = arith.index_cast %scan3A_92 : i32 to index
      %get3A_96 = arith.constant 0 : index
      %get3A_97 = vector.load %arg5[%get3A_95, %get3A_96] : memref<512x512xf32, #tpu.memory_space<vmem>>, vector<1x512xf32>
      %get3A_98 = arith.index_cast %scan3A_92 : i32 to index
      %get3A_99 = arith.constant 0 : index
      %get3A_100 = vector.load %arg6[%get3A_98, %get3A_99] : memref<512x512xf32, #tpu.memory_space<vmem>>, vector<1x512xf32>
      %get3A_101 = arith.index_cast %scan3A_92 : i32 to index
      %get3A_102 = arith.constant 0 : index
      %get3A_103 = vector.load %arg7[%get3A_101, %get3A_102] : memref<512x512xf32, #tpu.memory_space<vmem>>, vector<1x512xf32>
      %eq3A_104 = vector.broadcast %scan3A_94 : vector<1x1xi32> to vector<1x512xi32>
      %eq3A_105 = arith.cmpi eq, %iota3A_51, %eq3A_104 : vector<1x512xi32>
      %jit3A_106 = arith.constant 0.000000e+00 : f32
      %broadcast_in_dim3A_107 = vector.broadcast %jit3A_106 : f32 to vector<1x512xf32>
      %select_n3A_108 = arith.select %eq3A_105, %get3A_97, %broadcast_in_dim3A_107 : vector<1x512xi1>, vector<1x512xf32>
      %reduce_sum3A = arith.constant dense<0.000000e+00> : vector<1xf32>
      %reduce_sum3A_109 = vector.multi_reduction <add>, %select_n3A_108, %reduce_sum3A [1] : vector<1x512xf32> to vector<1xf32>
      %broadcast_in_dim3A_110 = vector.shape_cast %reduce_sum3A_109 : vector<1xf32> to vector<1x1xf32>
      %jit3A_111 = arith.constant 0.000000e+00 : f32
      %broadcast_in_dim3A_112 = vector.broadcast %jit3A_111 : f32 to vector<1x512xf32>
      %select_n3A_113 = arith.select %eq3A_105, %get3A_100, %broadcast_in_dim3A_112 : vector<1x512xi1>, vector<1x512xf32>
      %reduce_sum3A_114 = arith.constant dense<0.000000e+00> : vector<1xf32>
      %reduce_sum3A_115 = vector.multi_reduction <add>, %select_n3A_113, %reduce_sum3A_114 [1] : vector<1x512xf32> to vector<1xf32>
      %broadcast_in_dim3A_116 = vector.shape_cast %reduce_sum3A_115 : vector<1xf32> to vector<1x1xf32>
      %jit3A_117 = arith.constant 0.000000e+00 : f32
      %broadcast_in_dim3A_118 = vector.broadcast %jit3A_117 : f32 to vector<1x512xf32>
      %select_n3A_119 = arith.select %eq3A_105, %get3A_103, %broadcast_in_dim3A_118 : vector<1x512xi1>, vector<1x512xf32>
      %reduce_sum3A_120 = arith.constant dense<0.000000e+00> : vector<1xf32>
      %reduce_sum3A_121 = vector.multi_reduction <add>, %select_n3A_119, %reduce_sum3A_120 [1] : vector<1x512xf32> to vector<1xf32>
      %broadcast_in_dim3A_122 = vector.shape_cast %reduce_sum3A_121 : vector<1xf32> to vector<1x1xf32>
      %mul3A_123 = arith.constant 512 : i32
      %mul3A_124 = vector.broadcast %mul3A_123 : i32 to vector<1x1xi32>
      %mul3A_125 = arith.muli %scan3A_93, %mul3A_124 : vector<1x1xi32>
      %add3A = arith.addi %mul3A_125, %scan3A_94 : vector<1x1xi32>
      %swap3A_126 = arith.index_cast %scan3A_91 : i32 to index
      %swap3A_127 = arith.constant 0 : index
      %swap3A_128 = vector.load %arg1[%swap3A_126, %swap3A_127] : memref<2048x1xi32, #tpu.memory_space<vmem>>, vector<1x1xi32>
      tpu.vector_store %arg1[%swap3A_126, %swap3A_127], %add3A {strides = array<i32>} : memref<2048x1xi32, #tpu.memory_space<vmem>>, vector<1x1xi32>,
      %swap3A_129 = arith.index_cast %scan3A_91 : i32 to index
      %swap3A_130 = arith.constant 0 : index
      %swap3A_131 = vector.load %arg2[%swap3A_129, %swap3A_130] : memref<2048x1xf32, #tpu.memory_space<vmem>>, vector<1x1xf32>
      tpu.vector_store %arg2[%swap3A_129, %swap3A_130], %broadcast_in_dim3A_110 {strides = array<i32>} : memref<2048x1xf32, #tpu.memory_space<vmem>>, vector<1x1xf32>,
      %swap3A_132 = arith.index_cast %scan3A_91 : i32 to index
      %swap3A_133 = arith.constant 0 : index
      %swap3A_134 = vector.load %arg3[%swap3A_132, %swap3A_133] : memref<2048x1xf32, #tpu.memory_space<vmem>>, vector<1x1xf32>
      tpu.vector_store %arg3[%swap3A_132, %swap3A_133], %broadcast_in_dim3A_116 {strides = array<i32>} : memref<2048x1xf32, #tpu.memory_space<vmem>>, vector<1x1xf32>,
      %swap3A_135 = arith.index_cast %scan3A_91 : i32 to index
      %swap3A_136 = arith.constant 0 : index
      %swap3A_137 = vector.load %arg4[%swap3A_135, %swap3A_136] : memref<2048x1xf32, #tpu.memory_space<vmem>>, vector<1x1xf32>
      tpu.vector_store %arg4[%swap3A_135, %swap3A_136], %broadcast_in_dim3A_122 {strides = array<i32>} : memref<2048x1xf32, #tpu.memory_space<vmem>>, vector<1x1xf32>,
      %get3A_138 = arith.constant 0 : index
      %get3A_139 = arith.constant 0 : index
      %get3A_140 = vector.load %arg5[%get3A_138, %get3A_139] : memref<512x512xf32, #tpu.memory_space<vmem>>, vector<512x512xf32>
      %sub3A_141 = vector.broadcast %broadcast_in_dim3A_110 : vector<1x1xf32> to vector<512x512xf32>
      %sub3A_142 = arith.subf %get3A_140, %sub3A_141 : vector<512x512xf32>
      %get3A_143 = arith.constant 0 : index
      %get3A_144 = arith.constant 0 : index
      %get3A_145 = vector.load %arg6[%get3A_143, %get3A_144] : memref<512x512xf32, #tpu.memory_space<vmem>>, vector<512x512xf32>
      %sub3A_146 = vector.broadcast %broadcast_in_dim3A_116 : vector<1x1xf32> to vector<512x512xf32>
      %sub3A_147 = arith.subf %get3A_145, %sub3A_146 : vector<512x512xf32>
      %get3A_148 = arith.constant 0 : index
      %get3A_149 = arith.constant 0 : index
      %get3A_150 = vector.load %arg7[%get3A_148, %get3A_149] : memref<512x512xf32, #tpu.memory_space<vmem>>, vector<512x512xf32>
      %sub3A_151 = vector.broadcast %broadcast_in_dim3A_122 : vector<1x1xf32> to vector<512x512xf32>
      %sub3A_152 = arith.subf %get3A_150, %sub3A_151 : vector<512x512xf32>
      %mul3A_153 = arith.mulf %sub3A_142, %sub3A_142 : vector<512x512xf32>
      %mul3A_154 = arith.mulf %sub3A_147, %sub3A_147 : vector<512x512xf32>
      %add3A_155 = arith.addf %mul3A_153, %mul3A_154 : vector<512x512xf32>
      %mul3A_156 = arith.mulf %sub3A_152, %sub3A_152 : vector<512x512xf32>
      %add3A_157 = arith.addf %add3A_155, %mul3A_156 : vector<512x512xf32>
      %get3A_158 = arith.constant 0 : index
      %get3A_159 = arith.constant 0 : index
      %get3A_160 = vector.load %arg8[%get3A_158, %get3A_159] : memref<512x512xf32, #tpu.memory_space<vmem>>, vector<512x512xf32>
      %min3A = arith.minimumf %get3A_160, %add3A_157 : vector<512x512xf32>
      %swap3A_161 = arith.constant 0 : index
      %swap3A_162 = arith.constant 0 : index
      %swap3A_163 = vector.load %arg8[%swap3A_161, %swap3A_162] : memref<512x512xf32, #tpu.memory_space<vmem>>, vector<512x512xf32>
      tpu.vector_store %arg8[%swap3A_161, %swap3A_162], %min3A {strides = array<i32>} : memref<512x512xf32, #tpu.memory_space<vmem>>, vector<512x512xf32>,
      %reduce_max3A = arith.constant dense<0xFF800000> : vector<512xf32>
      %reduce_max3A_164 = vector.multi_reduction <maximumf>, %min3A, %reduce_max3A [1] : vector<512x512xf32> to vector<512xf32>
      %broadcast_in_dim3A_165 = vector.shape_cast %reduce_max3A_164 : vector<512xf32> to vector<512x1xf32>
      %reduce_max3A_166 = arith.constant dense<0xFF800000> : vector<1xf32>
      %reduce_max3A_167 = vector.multi_reduction <maximumf>, %broadcast_in_dim3A_165, %reduce_max3A_166 [0] : vector<512x1xf32> to vector<1xf32>
      %broadcast_in_dim3A_168 = vector.shape_cast %reduce_max3A_167 : vector<1xf32> to vector<1x1xf32>
      %eq3A_169 = vector.broadcast %broadcast_in_dim3A_168 : vector<1x1xf32> to vector<512x1xf32>
      %eq3A_170 = arith.cmpf oeq, %broadcast_in_dim3A_165, %eq3A_169 : vector<512x1xf32>
      %jit3A_171 = arith.constant 1073741824 : i32
      %broadcast_in_dim3A_172 = vector.broadcast %jit3A_171 : i32 to vector<512x1xi32>
      %select_n3A_173 = arith.select %eq3A_170, %iota3A_50, %broadcast_in_dim3A_172 : vector<512x1xi1>, vector<512x1xi32>
      %reduce_min3A_174 = arith.constant dense<2147483647> : vector<1xi32>
      %reduce_min3A_175 = vector.multi_reduction <minsi>, %select_n3A_173, %reduce_min3A_174 [0] : vector<512x1xi32> to vector<1xi32>
      %broadcast_in_dim3A_176 = vector.shape_cast %reduce_min3A_175 : vector<1xi32> to vector<1x1xi32>
      %squeeze3A_177 = vector.extract %broadcast_in_dim3A_176[0, 0] : i32 from vector<1x1xi32>
      %get3A_178 = arith.index_cast %squeeze3A_177 : i32 to index
      %get3A_179 = arith.constant 0 : index
      %get3A_180 = vector.load %arg8[%get3A_178, %get3A_179] : memref<512x512xf32, #tpu.memory_space<vmem>>, vector<1x512xf32>
      %eq3A_181 = vector.broadcast %broadcast_in_dim3A_168 : vector<1x1xf32> to vector<1x512xf32>
      %eq3A_182 = arith.cmpf oeq, %get3A_180, %eq3A_181 : vector<1x512xf32>
      %jit3A_183 = arith.constant 1073741824 : i32
      %broadcast_in_dim3A_184 = vector.broadcast %jit3A_183 : i32 to vector<1x512xi32>
      %select_n3A_185 = arith.select %eq3A_182, %iota3A_51, %broadcast_in_dim3A_184 : vector<1x512xi1>, vector<1x512xi32>
      %reduce_min3A_186 = arith.constant dense<2147483647> : vector<1xi32>
      %reduce_min3A_187 = vector.multi_reduction <minsi>, %select_n3A_185, %reduce_min3A_186 [1] : vector<1x512xi32> to vector<1xi32>
      %broadcast_in_dim3A_188 = vector.shape_cast %reduce_min3A_187 : vector<1xi32> to vector<1x1xi32>
      scf.yield %squeeze3A_177, %broadcast_in_dim3A_176, %broadcast_in_dim3A_188 : i32, vector<1x1xi32>, vector<1x1xi32>
    }
    %scan3A_90 = arith.constant 2048 : i32
    return
  }
}

module attributes {stable_mosaic.version = 14 : i64} {
  func.func @_assemble_body(%arg0: memref<2048x1xf32, #tpu.memory_space<vmem>>, %arg1: memref<2048x1xf32, #tpu.memory_space<vmem>>, %arg2: memref<2048x1xf32, #tpu.memory_space<vmem>>, %arg3: memref<2048x3xf32, #tpu.memory_space<vmem>>, %arg4: memref<2048x9xf32, #tpu.memory_space<vmem>>) attributes {dimension_semantics = [], scalar_prefetch = 0 : i64, scratch_operands = 0 : i64, tpu.core_type = #tpu.core_type<tc>} {
    %get3A = arith.constant 0 : index
    %get3A_0 = arith.constant 0 : index
    %get3A_1 = vector.load %arg0[%get3A, %get3A_0] : memref<2048x1xf32, #tpu.memory_space<vmem>>, vector<2048x1xf32>
    %get3A_2 = arith.constant 0 : index
    %get3A_3 = arith.constant 0 : index
    %get3A_4 = vector.load %arg1[%get3A_2, %get3A_3] : memref<2048x1xf32, #tpu.memory_space<vmem>>, vector<2048x1xf32>
    %get3A_5 = arith.constant 0 : index
    %get3A_6 = arith.constant 0 : index
    %get3A_7 = vector.load %arg2[%get3A_5, %get3A_6] : memref<2048x1xf32, #tpu.memory_space<vmem>>, vector<2048x1xf32>
    %concatenate3A = tpu.concatenate %get3A_1, %get3A_4, %get3A_7 in 1 : vector<2048x1xf32>, vector<2048x1xf32>, vector<2048x1xf32> -> vector<2048x3xf32>
    %get3A_8 = arith.constant 0 : index
    %get3A_9 = arith.constant 0 : index
    %get3A_10 = vector.load %arg3[%get3A_8, %get3A_9] : memref<2048x3xf32, #tpu.memory_space<vmem>>, vector<2048x3xf32>
    %div3A = arith.constant 2.550000e+02 : f32
    %div3A_11 = vector.broadcast %div3A : f32 to vector<2048x3xf32>
    %div3A_12 = arith.divf %get3A_10, %div3A_11 : vector<2048x3xf32>
    %reduce_min3A = arith.constant dense<0x7F800000> : vector<3xf32>
    %reduce_min3A_13 = vector.multi_reduction <minimumf>, %concatenate3A, %reduce_min3A [0] : vector<2048x3xf32> to vector<3xf32>
    %broadcast_in_dim3A = vector.shape_cast %reduce_min3A_13 : vector<3xf32> to vector<1x3xf32>
    %sub3A = vector.broadcast %broadcast_in_dim3A : vector<1x3xf32> to vector<2048x3xf32>
    %sub3A_14 = arith.subf %concatenate3A, %sub3A : vector<2048x3xf32>
    %reduce_max3A = arith.constant dense<0xFF800000> : vector<3xf32>
    %reduce_max3A_15 = vector.multi_reduction <maximumf>, %sub3A_14, %reduce_max3A [0] : vector<2048x3xf32> to vector<3xf32>
    %broadcast_in_dim3A_16 = vector.shape_cast %reduce_max3A_15 : vector<3xf32> to vector<1x3xf32>
    %lt3A = arith.constant 9.99999993E-9 : f32
    %lt3A_17 = vector.broadcast %lt3A : f32 to vector<1x3xf32>
    %lt3A_18 = arith.cmpf olt, %broadcast_in_dim3A_16, %lt3A_17 : vector<1x3xf32>
    %jit3A = arith.constant 1.000000e+00 : f32
    %broadcast_in_dim3A_19 = vector.broadcast %jit3A : f32 to vector<1x3xf32>
    %select_n3A = arith.select %lt3A_18, %broadcast_in_dim3A_19, %broadcast_in_dim3A_16 : vector<1x3xi1>, vector<1x3xf32>
    %div3A_20 = vector.broadcast %select_n3A : vector<1x3xf32> to vector<2048x3xf32>
    %div3A_21 = arith.divf %sub3A_14, %div3A_20 : vector<2048x3xf32>
    %concatenate3A_22 = tpu.concatenate %concatenate3A, %div3A_12, %div3A_21 in 1 : vector<2048x3xf32>, vector<2048x3xf32>, vector<2048x3xf32> -> vector<2048x9xf32>
    %swap3A = arith.constant 0 : index
    %swap3A_23 = arith.constant 0 : index
    %swap3A_24 = vector.load %arg4[%swap3A, %swap3A_23] : memref<2048x9xf32, #tpu.memory_space<vmem>>, vector<2048x9xf32>
    tpu.vector_store %arg4[%swap3A, %swap3A_23], %concatenate3A_22 {strides = array<i32>} : memref<2048x9xf32, #tpu.memory_space<vmem>>, vector<2048x9xf32>,
    return
  }
}

</mosaic_0001>

<sc_bundles>
// kernel: kernel.5.cloned.1.call-start
scs
__scs_entry_jumppad:
0x0: {  	(pc) =	sbr.rel $0x88, $3  }
0x1: {  	(tag) =	ssettag $0x0;
	lr =	simm.s32 $0x1  }
0x2: {  	[smem:$0x3F9F] =	sst lr;
	_ =	strace $0xD0000000  }
0x3: {  	_ = 	snop  }
0x4: {  	_ = 	snop  }
0x5: {  	_ = 	snop  }
0x6: {  	_ = 	snop  }
0x7: {  	_ = 	snop  }
__scs_overlays_trampoline_lowered:
0x8: {  	[smem:$0x3FAE] =	sst s0  }
0x9: {  	[smem:$0x3FAF] =	sst s1  }
0xa: {  	[smem:$0x3FB0] =	sst s2  }
0xb: {  	[smem:$0x3FB1] =	sst s3  }
0xc: {  	[smem:$0x3FB2] =	sst s4  }
0xd: {  	[smem:$0x3FB3] =	sst s5  }
0xe: {  	[smem:$0x3FB4] =	sst s6  }
0xf: {  	[smem:$0x3FB5] =	sst s7  }
0x10: {  	[smem:$0x3FB6] =	sst s8  }
0x11: {  	[smem:$0x3FB7] =	sst s9;
	s0 =	simm.s32 @!p0 $0x0  }
0x12: {  	s1 =	sld [smem:$0x3F9D];
	s0 =	simm.s32 @p0 $0x1  }
0x13: {  	[smem:$0x3FB8] =	sst s0;
	s0 =	simm.s32 @!p1 $0x0  }
0x14: {  	s2 =	sld [smem:$0x3F9C];
	s0 =	simm.s32 @p1 $0x1  }
0x15: {  	[smem:$0x3FB9] =	sst s0;
	s0 =	simm.s32 @!p2 $0x0  }
0x16: {  	s3 =	sld [smem:$0x3FDB];
	s0 =	simm.s32 @p2 $0x1  }
0x17: {  	s4 =	simm.s32 $0x1BF5;
	[smem:$0x3FBB] =	sst s0  }
0x18: {  	s0 =	sld [smem:$0x3F9E];
	_ =	swait.ge [sflag:s4], $0x0  }
0x19: {  	s7 =	sld [smem:$0x3F9F]  }
0x1a: {  	s8 =	sadd.s32 $0xFFFFE003, lr  }
0x1b: {  	s9 =	sadd.s32 $0xFFFFFEF7, lr;
	s5 =	simm.s32 $0xFFFFFFFF;
	p2 =	slt.u32 s8, $0xFFFFF086  }
0x1c: {  	p1 =	slt.u32 s9, $0xF7A;
	s5 =	simm.s32 @!p2 $0x0  }
0x1d: {  	s5 =	simm.s32 @p1 $0x1;
	p0 =	seq.s32 s7, s2  }
0x1e: {  	s7 =	smul.u32 @!p0 $0xF7A, s2;
	p2 =	seq.s32 @!p0 s5, $0x0  }
0x1f: {  	s9 =	smul.u32 $0xF7A, s1;
	s8 =	simm.s32 @!p0 $0x1BF5;
	p2 =	por !p2, p0  }
0x20: {  	[sflag:s8] =	ssyncset.s32 @!p0 $0xFFFFF086;
	s6 =	sadd.s32 @!p0 s3, s7;
	s7 =	simm.s32 @!p0 $0x108  }
0x21: {  	s3 =	sadd.s32 s3, s9;
	s6 =	sadd.s32 @!p0 $0x88, s6;
	s7 =	simm.s32 @p2 $0x1082  }
0x22: {  	[simem:s7], [sflag:s8] =	dma.local @!p0 [hbm:s6], $0xF7A  }
0x23: {  	s9 =	sor.u32 $0xD0000000, s2;
	s6 =	simm.s32 $0x108;
	_ =	swait.ge @!p0 [sflag:s8], $0x0  }
0x24: {  	s3 =	sadd.s32 $0x88, s3;
	s6 =	simm.s32 @!p1 $0x1082;
	[sflag:s4] =	ssyncset.s32 $0xFFFFF086  }
0x25: {  	[simem:s6], [sflag:s4] =	dma.local [hbm:s3], $0xF7A  }
0x26: {  	[smem:$0x3F9F] =	sst s1;
	(tag) =	ssettag s2;
	_ =	strace s9  }
0x27: {  	s1 =	sld [smem:$0x3FAF]  }
0x28: {  	s2 =	sld [smem:$0x3FB0]  }
0x29: {  	s4 =	sld [smem:$0x3FB2]  }
0x2a: {  	p0 =	seq.s32 s5, $0x0;
	s5 =	sld [smem:$0x3FB3]  }
0x2b: {  	s6 =	sld [smem:$0x3FB4]  }
0x2c: {  	s7 =	sld [smem:$0x3FB5]  }
0x2d: {  	s3 =	simm.s32 $0x108;
	s8 =	sld [smem:$0x3FB6]  }
0x2e: {  	s3 =	simm.s32 @!p0 $0x1082;
	s9 =	sld [smem:$0x3FB7]  }
0x2f: {  	lr =	sadd.s32 s0, s3;
	s0 =	sld [smem:$0x3FAE]  }
0x30: {  	s3 =	sld [smem:$0x3FB1]  }
0x31: {  	[smem:$0x3FBA] =	sst s10  }
0x32: {  	s10 =	sld [smem:$0x3FB8];
	_ =	sdelay $0x3  }
0x33: {  	p0 =	seq.s32 s10, $0x1;
	s10 =	sld [smem:$0x3FBA];
	_ =	sdelay $0x3  }
0x34: {  	[smem:$0x3FBA] =	sst s10  }
0x35: {  	s10 =	sld [smem:$0x3FB9];
	_ =	sdelay $0x3  }
0x36: {  	p1 =	seq.s32 s10, $0x1;
	s10 =	sld [smem:$0x3FBA];
	_ =	sdelay $0x3  }
0x37: {  	[smem:$0x3FBA] =	sst s10  }
0x38: {  	s10 =	sld [smem:$0x3FBB]  }
0x39: {  	_ = 	snop;
	(pc) =	sbr.ind lr, $3  }
0x3a: {  	_ = 	snop  }
0x3b: {  	_ = 	snop  }
0x3c: {  	p2 =	seq.s32 s10, $0x1;
	s10 =	sld [smem:$0x3FBA]  }
0x3d: {  	_ =	shalt  }
0x3e: {  	_ =	shalt  }
0x3f: {  	_ =	shalt  }
0x40: {  	_ =	shalt  }
0x41: {  	_ =	shalt  }
0x42: {  	_ =	shalt  }
0x43: {  	_ =	shalt  }
0x44: {  	_ =	shalt  }
0x45: {  	_ =	shalt  }
0x46: {  	_ =	shalt  }
0x47: {  	_ =	shalt  }
0x48: {  	_ =	shalt  }
0x49: {  	_ =	shalt  }
0x4a: {  	_ =	shalt  }
0x4b: {  	_ =	shalt  }
0x4c: {  	_ =	shalt  }
0x4d: {  	_ =	shalt  }
0x4e: {  	_ =	shalt  }
0x4f: {  	_ =	shalt  }
0x50: {  	_ =	shalt  }
0x51: {  	_ =	shalt  }
0x52: {  	_ =	shalt  }
0x53: {  	_ =	shalt  }
0x54: {  	_ =	shalt  }
0x55: {  	_ =	shalt  }
0x56: {  	_ =	shalt  }
0x57: {  	_ =	shalt  }
0x58: {  	_ =	shalt  }
0x59: {  	_ =	shalt  }
0x5a: {  	_ =	shalt  }
0x5b: {  	_ =	shalt  }
0x5c: {  	_ =	shalt  }
0x5d: {  	_ =	shalt  }
0x5e: {  	_ =	shalt  }
0x5f: {  	_ =	shalt  }
0x60: {  	_ =	shalt  }
0x61: {  	_ =	shalt  }
0x62: {  	_ =	shalt  }
0x63: {  	_ =	shalt  }
0x64: {  	_ =	shalt  }
0x65: {  	_ =	shalt  }
0x66: {  	_ =	shalt  }
0x67: {  	_ =	shalt  }
0x68: {  	_ =	shalt  }
0x69: {  	_ =	shalt  }
0x6a: {  	_ =	shalt  }
0x6b: {  	_ =	shalt  }
0x6c: {  	_ =	shalt  }
0x6d: {  	_ =	shalt  }
0x6e: {  	_ =	shalt  }
0x6f: {  	_ =	shalt  }
0x70: {  	_ =	shalt  }
0x71: {  	_ =	shalt  }
0x72: {  	_ =	shalt  }
0x73: {  	_ =	shalt  }
0x74: {  	_ =	shalt  }
0x75: {  	_ =	shalt  }
0x76: {  	_ =	shalt  }
0x77: {  	_ =	shalt  }
0x78: {  	_ =	shalt  }
0x79: {  	_ =	shalt  }
0x7a: {  	_ =	shalt  }
0x7b: {  	_ =	shalt  }
0x7c: {  	_ =	shalt  }
0x7d: {  	_ =	shalt  }
0x7e: {  	_ =	shalt  }
0x7f: {  	_ =	shalt  }
0x80: {  	_ =	shalt  }
0x81: {  	_ =	shalt  }
0x82: {  	_ =	shalt  }
0x83: {  	_ =	shalt  }
0x84: {  	_ =	shalt  }
0x85: {  	_ =	shalt  }
0x86: {  	_ =	shalt  }
0x87: {  	_ =	shalt  }
.Lfunc_end0:
.L_simem_size_0:
called_computation_lowered:
.L_overlay_start_0:
0x88: {  	s2 =	sld [smem:$0x3FD9]  }
0x89: {  	s3 =	sld [smem:$0x3FFE];
	_ =	sdelay $0x1  }
0x8a: {  	s1 =	srdreg.scid  }
0x8b: {  	s0 =	sand.u32 $0x1, s1  }
0x8c: {  	s17 =	sshll.u32 s0, $0xA;
	s2 =	sadd.s32 s3, s2  }
0x8d: {  	s2 =	sadd.s32 s2, s17  }
0x8e: {  	[smem:$0x3FC6] =	sst s2  }
0x8f: {  	_ = 	snop  }
0x90: {  	s2 =	sld [smem:$0x3FD0];
	(tm) =	ssettm $0x1  }
0x91: {  	s18 =	sld [smem:$0x3FFB];
	_ =	sdelay $0x3  }
0x92: {  	_ =	strace s18  }
0x93: {  	s3 =	sld [smem:$0x3FFC];
	_ =	sdelay $0x3  }
0x94: {  	_ =	strace s3  }
0x95: {  	s3 =	sld [smem:$0x3FFD];
	_ =	sdelay $0x3  }
0x96: {  	_ =	strace s3  }
0x97: {  	_ =	strace $0x8FFFFFFF  }
0x98: {  	s19 =	sld [smem:$0x3FDB];
	_ =	sdelay $0x1  }
0x99: {  	s4 =	simm.s32 $_scs_section_size  }
0x9a: {  	s5 =	simm.s32 $_size__tile_overlayer_lowered;
	s6 =	simm.s32 $_tile_overlayer_lowered  }
0x9b: {  	s22 =	simm.s32 $0x1BFF;
	s21 =	sshll.u32 s6, $0x1;
	s3 =	sadd.s32 s4, s19  }
0x9c: {  	s7 =	simm.s32 $0x0;
	s20 =	sshll.u32 s5, $0x1;
	s5 =	sadd.s32 s21, s3  }
0x9d: {  	[timem:s7], [sflag:s22] =	dma.local [hbm:s5], s20  }
0x9e: {  	_ =	swait.ge [sflag:s22], s20  }
0x9f: {  	s4 =	ssub.s32 $0x0, s20;
	[sflag:s22] =	ssyncset.done $0x0  }
0xa0: {  	[sflag:s22] =	ssyncadd.s32 s4;
	_ =	sdelay $0x1  }
0xa1: {  	s23 =	simm.s32 $0x1B8B  }
0xa2: {  	_ =	swait.ge [sflag:s23], $0x1  }
0xa3: {  	[sflag:s23] =	ssyncset.done $0x0  }
0xa4: {  	s25 =	simm.s32 $0x1B8E;
	s24 =	sld [smem:$0x3FFE];
	[sflag:s23] =	ssyncadd.s32 $0xFFFFFFFF  }
0xa5: {  	s26 =	simm.s32 $execute0_lowered;
	[smem:$0x3FD2] =	sst s25  }
0xa6: {  	s5 =	sshll.u32 s26, $0x1;
	_ =	strace $0x80000046;
	[dreg:$0x1] =	wrdreg $0xFFFFFFFF  }
0xa7: {  	s28 =	simm.s32 $_size_execute0_lowered;
	s3 =	sadd.s32 s3, s5;
	[dreg:$0x0] =	wrdreg $0x0  }
0xa8: {  	s5 =	sshll.u32 s28, $0x1;
	[dreg:$0x2] =	wrdreg s3  }
0xa9: {  	[dreg:$0x3] =	wrdreg s5  }
0xaa: {  	[dreg:$0x4] =	wrdreg $0xC0  }
0xab: {  	_ =	task [dreg:s7], $0x5FFFF  }
0xac: {  	[dreg:$0x1] =	wrdreg $0xFFFFFFFF  }
0xad: {  	[dreg:$0x0] =	wrdreg $0x60  }
0xae: {  	[dreg:$0x2] =	wrdreg s24  }
0xaf: {  	[dreg:$0x3] =	wrdreg s2  }
0xb0: {  	[dreg:$0x4] =	wrdreg $0x9  }
0xb1: {  	_ =	task.clear_ibuf [dreg:s7], $0x5FFFF;
	_ =	strace $0x90000046  }
0xb2: {  	s29 =	simm.s32 $0x9;
	_ =	strace $0x80000048  }
0xb3: {  	_ =	swait.ge [sflag:s29], $0x1  }
0xb4: {  	[sflag:s29] =	ssyncadd.s32 $0xFFFFFFFF  }
0xb5: {  	_ =	strace $0x90000048  }
0xb6: {  	_ =	sfence  }
0xb7: {  	s30 =	sld [smem:$0x0];
	_ =	sdelay $0x2  }
0xb8: {  	s31 =	sshll.u32 s1, $0xD;
	s1 =	sshrl.u32 s1, $0x2  }
0xb9: {  	s3 =	sand.u32 $0x4000, s31;
	s1 =	sadd.s32 s1, s30  }
0xba: {  	s0 =	sor.u32 s3, s0;
	s1 =	sshll.u32 s1, $0x11  }
0xbb: {  	s0 =	sor.u32 s1, s0  }
0xbc: {  	s0 =	sadd.s32 $0x8F2B, s0  }
0xbd: {  	[sflag:s0] =	ssyncadd.remote.s32 $0x1  }
0xbe: {  	_ =	sfence.sel $0xFFFF  }
0xbf: {  	[dreg:$0x0] =	wrdreg $0xFFFFFFFF;
	(pc) =	sbr.abs _section_cstart, $3  }
0xc0: {  	[dreg:$0x1] =	wrdreg $0xFFFFFFFF  }
0xc1: {  	_ =	task.clear_ibuf [dreg:s7], $0x2FFFF;
	_ =	strace $0x9FFFFFFF  }
0xc2: {  	(tm) =	ssettm $0x7FFFFFFF  }
0xc3: {  	_ =	shalt  }
tec
execute0_lowered:
.L_overlay_start_1:
0x0: {  	(tag) =	ssettag $0x1  }
0x1: {  	s1 =	srdreg.scid  }
0x2: {  	s0 =	stileid.u32;
	s10 =	sand.u32 $0x1, s1  }
0x3: {  	s4 =	rddreg [dreg:$0x0];
	s29 =	sshll.u32 s0, $0x7;
	s12 =	sshll.u32 s10, $0x6  }
0x4: {  	s13 =	rddreg [dreg:$0x1];
	s5 =	sor.u32 s12, s29  }
0x5: {  	s2 =	simm.s32 $0x0;
	s1 =	rddreg [dreg:$0x2];
	s3 =	sshrl.u32 s5, $0x3  }
0x6: {  	[smem:$0x7FF] =	sst s2;
	s3 =	sadd.s32 s3, s4  }
0x7: {  	_ =	strace $0x80000047;
	s9 =	sadd.s32 $0x400, s3;
	s3 =	simm.s32 $0x2  }
0x8: {  	[tilespmem:s2], [sflag:$0x2] =	stream.linear.gather [hbm4b:s9+s2], $0x40, $0x38;
	[tilespmem:$0x180] =	vst v63  }
0x9: {  	_ =	swait.ge [sflag:s3], $0x40  }
0xa: {  	[sflag:s3] =	ssyncset.done $0x0  }
0xb: {  	[sflag:s3] =	ssyncadd.s32 $0xFFFFFFC0  }
0xc: {  	v0 =	vld [tilespmem:$0x30]  }
0xd: {  	v1 =	vld [tilespmem:$0x20]  }
0xe: {  	v2 =	vld [tilespmem:$0x0]  }
0xf: {  	v3 =	vld [tilespmem:$0x10];
	_ =	sdelay $0x1  }
0x10: {  	v0 =	vmul.u32 $0x3, v0  }
0x11: {  	v1 =	vmul.u32 $0x3, v1  }
0x12: {  	v2 =	vmul.u32 $0x3, v2;
	[tilespmem:$0xB0] =	vst v0  }
0x13: {  	s6 =	simm.s32 $0x40;
	v0 =	vmul.u32 $0x3, v3;
	[tilespmem:$0xA0] =	vst v1  }
0x14: {  	s8 =	simm.s32 $0x80;
	s7 =	simm.s32 $0x1;
	s14 =	sshll.u32 s5, $0x2;
	[tilespmem:$0x80] =	vst v2  }
0x15: {  	s5 =	simm.s32 $0x100;
	s4 =	sadd.s32 $0x400400, s4;
	s11 =	sand.u32 $0x1E00, s14;
	[tilespmem:$0x90] =	vst v0  }
0x16: {  	[tilespmem:s5], [sflag:$0x1] =	stream.indirect.gather [hbm4b:s4+s6], $0x1, s8, s6, $0xb8;
	[tilespmem:$0x180] =	vst v63  }
0x17: {  	s11 =	sor.u32 s12, s11;
	_ =	swait.ge [sflag:s7], $0x40  }
0x18: {  	s11 =	sshrl.u32 s11, $0x3;
	[sflag:s7] =	ssyncset.done $0x0  }
0x19: {  	s10 =	ssub.s32 $0x2, s10;
	s11 =	sadd.s32 s13, s11;
	[sflag:s7] =	ssyncadd.s32 $0xFFFFFFC0  }
0x1a: {  	[hbm4b:s11+s2] =	stream.linear.scatter [tilespmem:s5], [sflag:$0x2], $0x40, $0x38;
	[tilespmem:$0x180] =	vst v63  }
0x1b: {  	s15 =	sshrl.u32 s10, $0x1;
	_ =	swait.ge [sflag:s3], $0x40  }
0x1c: {  	s10 =	ssub.s32 s10, s15;
	[sflag:s3] =	ssyncset.done $0x0  }
0x1d: {  	s30 =	smax.u32 s10, $0x1;
	[sflag:s3] =	ssyncadd.s32 $0xFFFFFFC0  }
0x1e: {  	p0 =	sne.s32 s30, $0x1;
	v3 =	vld [tilespmem:$0x30]  }
.Ltmp0:
0x1f: {  	v0 =	vld [tilespmem:$0x10];
	(pc) =	sbr.rel @!p0 .LBB2_2-.Ltmp0, $4  }
0x20: {  	s12 =	sor.u32 s12, s14;
	v1 =	vld [tilespmem:$0x20]  }
0x21: {  	s12 =	sshrl.u32 s12, $0x3;
	v2 =	vld [tilespmem:$0x0]  }
0x22: {  	s31 =	sor.u32 $0x20, s12  }
0x23: {  	s10 =	sadd.s32 s13, s31;
	s12 =	sadd.s32 $0x10, s11;
	s13 =	sadd.s32 $0xFFFFFFFF, s30;
	v3 =	vmul.u32 $0x3, v3  }
.LBB2_1:
0x24: {  	p0 =	sne.s32 s13, $0x1;
	s13 =	sadd.s32 $0xFFFFFFFF, s13;
	v0 =	vmul.u32 $0x3, v0  }
0x25: {  	v1 =	vmul.u32 $0x3, v1;
	v3 =	vadd.s32 $0x1, v3  }
0x26: {  	v2 =	vmul.u32 $0x3, v2;
	v0 =	vadd.s32 $0x1, v0;
	[tilespmem:$0xB0] =	vst v3  }
0x27: {  	[tilespmem:$0x90] =	vst v0;
	v0 =	vadd.s32 $0x1, v1  }
0x28: {  	v1 =	vadd.s32 $0x1, v2;
	[tilespmem:$0xA0] =	vst v0  }
0x29: {  	[tilespmem:$0x80] =	vst v1  }
0x2a: {  	[tilespmem:s5], [sflag:$0x1] =	stream.indirect.gather [hbm4b:s4+s6], $0x1, s8, s6, $0xb8;
	[tilespmem:$0x180] =	vst v63  }
0x2b: {  	_ =	swait.ge [sflag:s7], $0x40  }
0x2c: {  	[sflag:s7] =	ssyncset.done $0x0  }
0x2d: {  	[sflag:s7] =	ssyncadd.s32 $0xFFFFFFC0  }
0x2e: {  	[hbm4b:s12+s2] =	stream.linear.scatter [tilespmem:s5], [sflag:$0x2], $0x40, $0x38;
	[tilespmem:$0x180] =	vst v63  }
0x2f: {  	_ =	swait.ge [sflag:s3], $0x40  }
0x30: {  	[sflag:s3] =	ssyncset.done $0x0  }
0x31: {  	[sflag:s3] =	ssyncadd.s32 $0xFFFFFFC0  }
0x32: {  	v0 =	vld [tilespmem:$0x0]  }
0x33: {  	v1 =	vld [tilespmem:$0x10]  }
0x34: {  	v2 =	vld [tilespmem:$0x30]  }
0x35: {  	v3 =	vld [tilespmem:$0x20];
	_ =	sdelay $0x1  }
0x36: {  	v0 =	vmul.u32 $0x3, v0  }
0x37: {  	v1 =	vmul.u32 $0x3, v1  }
0x38: {  	v0 =	vadd.s32 $0x2, v0;
	v2 =	vmul.u32 $0x3, v2  }
0x39: {  	[tilespmem:$0x80] =	vst v0;
	v0 =	vadd.s32 $0x2, v1;
	v1 =	vmul.u32 $0x3, v3  }
0x3a: {  	[tilespmem:$0x90] =	vst v0;
	v0 =	vadd.s32 $0x2, v2  }
0x3b: {  	v1 =	vadd.s32 $0x2, v1;
	[tilespmem:$0xB0] =	vst v0  }
0x3c: {  	[tilespmem:$0xA0] =	vst v1  }
0x3d: {  	[tilespmem:s5], [sflag:$0x1] =	stream.indirect.gather [hbm4b:s4+s6], $0x1, s8, s6, $0xb8;
	[tilespmem:$0x180] =	vst v63  }
0x3e: {  	_ =	swait.ge [sflag:s7], $0x40  }
0x3f: {  	[sflag:s7] =	ssyncset.done $0x0  }
0x40: {  	[sflag:s7] =	ssyncadd.s32 $0xFFFFFFC0  }
0x41: {  	[hbm4b:s10+s2] =	stream.linear.scatter [tilespmem:s5], [sflag:$0x2], $0x40, $0x38;
	[tilespmem:$0x180] =	vst v63  }
0x42: {  	_ =	swait.ge [sflag:s3], $0x40  }
0x43: {  	[sflag:s3] =	ssyncset.done $0x0  }
0x44: {  	[sflag:s3] =	ssyncadd.s32 $0xFFFFFFC0  }
0x45: {  	[tilespmem:s2], [sflag:$0x2] =	stream.linear.gather [hbm4b:s9+s2], $0x40, $0x38;
	[tilespmem:$0x180] =	vst v63  }
0x46: {  	_ =	swait.ge [sflag:s3], $0x40  }
0x47: {  	[sflag:s3] =	ssyncset.done $0x0  }
0x48: {  	[sflag:s3] =	ssyncadd.s32 $0xFFFFFFC0  }
0x49: {  	v0 =	vld [tilespmem:$0x30]  }
0x4a: {  	v1 =	vld [tilespmem:$0x20]  }
0x4b: {  	v2 =	vld [tilespmem:$0x0]  }
0x4c: {  	v3 =	vld [tilespmem:$0x10];
	_ =	sdelay $0x1  }
0x4d: {  	v0 =	vmul.u32 $0x3, v0  }
0x4e: {  	v1 =	vmul.u32 $0x3, v1  }
0x4f: {  	v2 =	vmul.u32 $0x3, v2;
	[tilespmem:$0xB0] =	vst v0  }
0x50: {  	v0 =	vmul.u32 $0x3, v3;
	[tilespmem:$0xA0] =	vst v1  }
0x51: {  	[tilespmem:$0x80] =	vst v2  }
0x52: {  	[tilespmem:$0x90] =	vst v0  }
0x53: {  	[tilespmem:s5], [sflag:$0x1] =	stream.indirect.gather [hbm4b:s4+s6], $0x1, s8, s6, $0xb8;
	[tilespmem:$0x180] =	vst v63  }
0x54: {  	_ =	swait.ge [sflag:s7], $0x40  }
0x55: {  	[sflag:s7] =	ssyncset.done $0x0  }
0x56: {  	[sflag:s7] =	ssyncadd.s32 $0xFFFFFFC0  }
0x57: {  	[hbm4b:s11+s2] =	stream.linear.scatter [tilespmem:s5], [sflag:$0x2], $0x40, $0x38;
	[tilespmem:$0x180] =	vst v63  }
0x58: {  	_ =	swait.ge [sflag:s3], $0x40  }
0x59: {  	[sflag:s3] =	ssyncset.done $0x0  }
0x5a: {  	[sflag:s3] =	ssyncadd.s32 $0xFFFFFFC0  }
0x5b: {  	v3 =	vld [tilespmem:$0x30]  }
.Ltmp1:
0x5c: {  	v0 =	vld [tilespmem:$0x10];
	(pc) =	sbr.rel @p0 .LBB2_1-.Ltmp1, $3  }
0x5d: {  	v1 =	vld [tilespmem:$0x20]  }
0x5e: {  	v2 =	vld [tilespmem:$0x0];
	_ =	sdelay $0x1  }
0x5f: {  	v3 =	vmul.u32 $0x3, v3  }
.LBB2_2:
0x60: {  	v0 =	vmul.u32 $0x3, v0  }
0x61: {  	v1 =	vmul.u32 $0x3, v1;
	v3 =	vadd.s32 $0x1, v3  }
0x62: {  	v2 =	vmul.u32 $0x3, v2;
	v0 =	vadd.s32 $0x1, v0;
	[tilespmem:$0xB0] =	vst v3  }
0x63: {  	[tilespmem:$0x90] =	vst v0;
	v55 =	vadd.s32 $0x1, v1  }
0x64: {  	v56 =	vadd.s32 $0x1, v2;
	[tilespmem:$0xA0] =	vst v55  }
0x65: {  	[tilespmem:$0x80] =	vst v56  }
0x66: {  	[tilespmem:s5], [sflag:$0x1] =	stream.indirect.gather [hbm4b:s4+s6], $0x1, s8, s6, $0xb8;
	[tilespmem:$0x180] =	vst v63  }
0x67: {  	_ =	swait.ge [sflag:s7], $0x40  }
0x68: {  	[sflag:s7] =	ssyncset.done $0x0  }
0x69: {  	[sflag:s7] =	ssyncadd.s32 $0xFFFFFFC0  }
0x6a: {  	[hbm4b:s12+s2] =	stream.linear.scatter [tilespmem:s5], [sflag:$0x2], $0x40, $0x38;
	[tilespmem:$0x180] =	vst v63  }
0x6b: {  	_ =	swait.ge [sflag:s3], $0x40  }
0x6c: {  	[sflag:s3] =	ssyncset.done $0x0  }
0x6d: {  	[sflag:s3] =	ssyncadd.s32 $0xFFFFFFC0  }
0x6e: {  	v57 =	vld [tilespmem:$0x0]  }
0x6f: {  	v58 =	vld [tilespmem:$0x10]  }
0x70: {  	v59 =	vld [tilespmem:$0x30]  }
0x71: {  	v60 =	vld [tilespmem:$0x20];
	_ =	sdelay $0x1  }
0x72: {  	v0 =	vmul.u32 $0x3, v57  }
0x73: {  	v1 =	vmul.u32 $0x3, v58  }
0x74: {  	v2 =	vmul.u32 $0x3, v59;
	v0 =	vadd.s32 $0x2, v0  }
0x75: {  	v62 =	vmul.u32 $0x3, v60;
	v61 =	vadd.s32 $0x2, v1;
	[tilespmem:$0x80] =	vst v0  }
0x76: {  	v63 =	vadd.s32 $0x2, v2;
	[tilespmem:$0x90] =	vst v61  }
0x77: {  	v1 =	vadd.s32 $0x2, v62;
	[tilespmem:$0xB0] =	vst v63  }
0x78: {  	[tilespmem:$0xA0] =	vst v1  }
0x79: {  	[tilespmem:s5], [sflag:$0x1] =	stream.indirect.gather [hbm4b:s4+s6], $0x1, s8, s6, $0xb8;
	[tilespmem:$0x180] =	vst v63  }
0x7a: {  	_ =	swait.ge [sflag:s7], $0x40  }
0x7b: {  	[sflag:s7] =	ssyncset.done $0x0  }
0x7c: {  	[sflag:s7] =	ssyncadd.s32 $0xFFFFFFC0  }
0x7d: {  	[hbm4b:s10+s2] =	stream.linear.scatter [tilespmem:s5], [sflag:$0x2], $0x40, $0x38;
	[tilespmem:$0x180] =	vst v63  }
0x7e: {  	_ =	swait.ge [sflag:s3], $0x40  }
0x7f: {  	[sflag:s3] =	ssyncset.done $0x0  }
0x80: {  	[sflag:s3] =	ssyncadd.s32 $0xFFFFFFC0  }
0x81: {  	_ =	sfence.sel $0x180000  }
0x82: {  	[bflag:$0x0] =	sbarrier.arrive $0xFFFF  }
0x83: {  	p0 =	sne.s32 s0, $0x0;
	_ =	strace $0x90000047  }
0x84: {  	s0 =	sadd.s32 @!p0 $0x100000, s1;
	[bflag:$0x2] =	sbarrier.arrive $0xFFFF  }
0x85: {  	[sflag:s0] =	ssyncadd.tile.s32 @!p0 $0x1;
	_ =	shalt  }
.Lfunc_end2:
_tile_overlayer_lowered:
.L_overlay_start_2:
0x86: {  	(tag) =	ssettag $0x2  }
0x87: {  	s0 =	rddreg [dreg:$0x0];
	s2 =	stileid.u32  }
0x88: {  	s1 =	rddreg [dreg:$0x1];
	p0 =	sne.s32 s2, $0x0  }
0x89: {  	s3 =	rddreg [dreg:$0x2];
	[bflag:$0x3] =	sbarrier.arrive $0xFFFF;
	s2 =	simm.s32 @!p0 $0x1C02  }
0x8a: {  	[timem:s3], [sflag:s2] =	dma.local @!p0 [hbm:s0], s1  }
0x8b: {  	s0 =	simm.s32 @!p0 $0x2  }
0x8c: {  	_ =	swait.ge @!p0 [sflag:s0], s1  }
0x8d: {  	s1 =	ssub.s32 @!p0 $0x0, s1;
	[sflag:s0] =	ssyncset.done @!p0 $0x0  }
0x8e: {  	[sflag:s0] =	ssyncadd.s32 @!p0 s1  }
0x8f: {  	[bflag:$0x3] =	sbarrier.arrive $0xFFFF  }
0x90: {  	_ =	shalt  }

</sc_bundles>
